<compile_context>
chip_gen: v7x
topology: tpu7x:2x2x1
jax: 0.10.2.dev20260603
libtpu: 0.0.44.dev20260713+nightly
codegen_flags: <defaults>
</compile_context>

<pallas_src>
import functools

import jax
import jax.numpy as jnp
from jax import lax
from jax.experimental import pallas as pl
from jax.experimental.pallas import tpu as pltpu
from jax.experimental.pallas import tpu_sc as plsc

B = 1024
R = 200
RH = 96
I = 50
C = 128
L = 16
G = C // L

_info = plsc.get_sparse_core_info()
_NC, _NS = _info.num_cores, _info.num_subcores
NW = _NC * _NS
BPW = B // NW

_mesh = plsc.VectorSubcoreMesh(core_axis_name="c", subcore_axis_name="s")


@functools.partial(
    pl.kernel,
    mesh=_mesh,
    out_type=jax.ShapeDtypeStruct((I, B, C), jnp.float32),
    scratch_types=[
        pltpu.VMEM((R, C), jnp.float32),
        pltpu.VMEM((R, C), jnp.float32),
        pltpu.VMEM((I, C), jnp.int32),
        pltpu.VMEM((I, C), jnp.int32),
        pltpu.VMEM((I, C), jnp.float32),
        pltpu.VMEM((I, C), jnp.float32),
        pltpu.SemaphoreType.DMA,
        pltpu.SemaphoreType.DMA,
        pltpu.SemaphoreType.DMA,
        pltpu.SemaphoreType.DMA,
        pltpu.SemaphoreType.DMA,
        pltpu.SemaphoreType.DMA,
        pltpu.SemaphoreType.DMA,
        pltpu.SemaphoreType.DMA,
    ],
    compiler_params=pltpu.CompilerParams(
        needs_layout_passes=False,
        use_tc_tiling_on_sc=True,
    ),
)
def _gather_sc(in_hbm, idx_hbm, out_hbm,
               in_v0, in_v1, idx_v0, idx_v1, out_v0, out_v1,
               ina_s0, ina_s1, inb_s0, inb_s1,
               idx_s0, idx_s1, out_s0, out_s1):
    wid = lax.axis_index("s") * _NC + lax.axis_index("c")
    b0 = wid * BPW
    lane = lax.iota(jnp.int32, L)
    lanes = [lane + g * L for g in range(G)]

    slots = (
        (in_v0, idx_v0, out_v0, ina_s0, inb_s0, idx_s0, out_s0),
        (in_v1, idx_v1, out_v1, ina_s1, inb_s1, idx_s1, out_s1),
    )

    def start_in(b, slot):
        in_v, idx_v, _, ina_s, inb_s, idx_s, _ = slots[slot]
        pltpu.async_copy(
            in_hbm.at[b, pl.ds(0, RH)], in_v.at[pl.ds(0, RH)], ina_s
        )
        pltpu.async_copy(
            in_hbm.at[b, pl.ds(RH, R - RH)], in_v.at[pl.ds(RH, R - RH)], inb_s
        )
        pltpu.async_copy(idx_hbm.at[:, b], idx_v, idx_s)

    def wait_in(b, slot):
        in_v, idx_v, _, ina_s, inb_s, idx_s, _ = slots[slot]
        pltpu.make_async_copy(
            in_hbm.at[b, pl.ds(0, RH)], in_v.at[pl.ds(0, RH)], ina_s
        ).wait()
        pltpu.make_async_copy(
            in_hbm.at[b, pl.ds(RH, R - RH)], in_v.at[pl.ds(RH, R - RH)], inb_s
        ).wait()
        pltpu.make_async_copy(idx_hbm.at[:, b], idx_v, idx_s).wait()

    def wait_out(b, slot):
        _, _, out_v, _, _, _, out_s = slots[slot]
        pltpu.make_async_copy(out_v, out_hbm.at[:, b], out_s).wait()

    def start_out(b, slot):
        _, _, out_v, _, _, _, out_s = slots[slot]
        pltpu.async_copy(out_v, out_hbm.at[:, b], out_s)

    def compute(slot):
        in_v, idx_v, out_v, _, _, _, _ = slots[slot]

        def row(i, carry):
            for g in range(G):
                idx16 = idx_v[i, pl.ds(g * L, L)]
                out_v[i, pl.ds(g * L, L)] = plsc.load_gather(
                    in_v, [idx16, lanes[g]]
                )
            return carry

        lax.fori_loop(0, I, row, 0)

    start_in(b0, 0)

    def pair_body(p, carry):
        bi0 = 2 * p
        for slot in range(2):
            b = b0 + bi0 + slot
            nxt = bi0 + slot + 1

            @pl.when(nxt < BPW)
            def _():
                start_in(b0 + nxt, 1 - slot)

            @pl.when(p > 0)
            def _():
                wait_out(b - 2, slot)

            wait_in(b, slot)
            compute(slot)
            start_out(b, slot)
        return carry

    lax.fori_loop(0, BPW // 2, pair_body, 0)
    wait_out(b0 + BPW - 2, 0)
    wait_out(b0 + BPW - 1, 1)


def kernel(input, index):
    idx_t = index.astype(jnp.int32).transpose(1, 0, 2)
    out_t = _gather_sc(input, idx_t)
    return out_t.transpose(1, 0, 2)

# --- scband reference (transcript-rebuilt; emitter-appended) ---
"""Pipeline reference for scband-test-model-32469952758108 (READ-ONLY COPY).

The authoritative reference and input builder live on the scoring server;
editing this copy changes nothing except your own understanding.
"""

import jax, jax.numpy as jnp
import numpy as np


def setup_inputs(seed: int = 0) -> dict:
    key = jax.random.key(seed)
    k1, k2 = jax.random.split(key)
    input = jax.random.normal(k1, (1024, 200, 128), dtype=jnp.float32)
    index = jax.random.randint(k2, (1024, 50, 128), 0, 200, dtype=jnp.int64 if jax.config.jax_enable_x64 else jnp.int32)
    return {"input": input, "index": index}


def reference(input, index):
    # torch.gather(input, dim=1, index) == jnp.take_along_axis(input, index, axis=1)
    return jnp.take_along_axis(input, index, axis=1)

if __name__ == "__main__":
    import jax
    _d = setup_inputs()
    print(jax.jit(kernel)(*tuple(_d.values())))

</pallas_src>

<mosaic_0001>
#map = affine_map<(d0, d1) -> (0, 0, 0)>
module attributes {stable_mosaic.version = 14 : i64} {
  func.func @_gather_sc(%arg0: i32, %arg1: i32, %arg2: memref<1024x200x128xf32, #tpu.memory_space<hbm>>, %arg3: memref<50x1024x128xi32, #tpu.memory_space<hbm>>, %arg4: memref<50x1024x128xf32, #tpu.memory_space<hbm>>, %arg5: memref<200x128xf32, #tpu.memory_space<vmem>>, %arg6: memref<200x128xf32, #tpu.memory_space<vmem>>, %arg7: memref<50x128xi32, #tpu.memory_space<vmem>>, %arg8: memref<50x128xi32, #tpu.memory_space<vmem>>, %arg9: memref<50x128xf32, #tpu.memory_space<vmem>>, %arg10: memref<50x128xf32, #tpu.memory_space<vmem>>, %arg11: memref<!tpu.dma_semaphore, #tpu.memory_space<semaphore_mem>>, %arg12: memref<!tpu.dma_semaphore, #tpu.memory_space<semaphore_mem>>, %arg13: memref<!tpu.dma_semaphore, #tpu.memory_space<semaphore_mem>>, %arg14: memref<!tpu.dma_semaphore, #tpu.memory_space<semaphore_mem>>, %arg15: memref<!tpu.dma_semaphore, #tpu.memory_space<semaphore_mem>>, %arg16: memref<!tpu.dma_semaphore, #tpu.memory_space<semaphore_mem>>, %arg17: memref<!tpu.dma_semaphore, #tpu.memory_space<semaphore_mem>>, %arg18: memref<!tpu.dma_semaphore, #tpu.memory_space<semaphore_mem>>) attributes {dimension_semantics = [#tpu.dimension_semantics<core_parallel>, #tpu.dimension_semantics<subcore_parallel>], iteration_bounds = array<i64: 2, 16>, scalar_prefetch = 0 : i64, scratch_operands = 14 : i64, tpu.core_type = #tpu.core_type<sc_vector_subcore>, window_params = [{transform_indices = #map}, {transform_indices = #map}, {transform_indices = #map}]} {
    %mul3A = arith.constant 2 : i32
    %mul3A_0 = arith.muli %arg1, %mul3A : i32
    %add3A = arith.addi %mul3A_0, %arg0 : i32
    %mul3A_1 = arith.constant 32 : i32
    %mul3A_2 = arith.muli %add3A, %mul3A_1 : i32
    %iota3A = tpu.iota {dimensions = array<i32: 0>} : vector<16xi32>
    %add3A_3 = arith.constant 0 : i32
    %add3A_4 = vector.broadcast %add3A_3 : i32 to vector<16xi32>
    %add3A_5 = arith.addi %iota3A, %add3A_4 : vector<16xi32>
    %add3A_6 = arith.constant 16 : i32
    %add3A_7 = vector.broadcast %add3A_6 : i32 to vector<16xi32>
    %add3A_8 = arith.addi %iota3A, %add3A_7 : vector<16xi32>
    %add3A_9 = arith.constant 32 : i32
    %add3A_10 = vector.broadcast %add3A_9 : i32 to vector<16xi32>
    %add3A_11 = arith.addi %iota3A, %add3A_10 : vector<16xi32>
    %add3A_12 = arith.constant 48 : i32
    %add3A_13 = vector.broadcast %add3A_12 : i32 to vector<16xi32>
    %add3A_14 = arith.addi %iota3A, %add3A_13 : vector<16xi32>
    %add3A_15 = arith.constant 64 : i32
    %add3A_16 = vector.broadcast %add3A_15 : i32 to vector<16xi32>
    %add3A_17 = arith.addi %iota3A, %add3A_16 : vector<16xi32>
    %add3A_18 = arith.constant 80 : i32
    %add3A_19 = vector.broadcast %add3A_18 : i32 to vector<16xi32>
    %add3A_20 = arith.addi %iota3A, %add3A_19 : vector<16xi32>
    %add3A_21 = arith.constant 96 : i32
    %add3A_22 = vector.broadcast %add3A_21 : i32 to vector<16xi32>
    %add3A_23 = arith.addi %iota3A, %add3A_22 : vector<16xi32>
    %add3A_24 = arith.constant 112 : i32
    %add3A_25 = vector.broadcast %add3A_24 : i32 to vector<16xi32>
    %add3A_26 = arith.addi %iota3A, %add3A_25 : vector<16xi32>
    %dma_start3A = arith.constant 0 : i32
    %dma_start3A_27 = arith.constant 0 : i32
    %dma_start3A_28 = tpu.memref_slice %arg5[%dma_start3A, %dma_start3A_27] : memref<200x128xf32, #tpu.memory_space<vmem>> -> memref<96x128xf32, #tpu.memory_space<vmem>>
    %dma_start3A_29 = arith.constant 0 : i32
    %dma_start3A_30 = arith.constant 0 : i32
    %dma_start3A_31 = tpu.memref_slice %arg2[%mul3A_2, %dma_start3A_29, %dma_start3A_30] : memref<1024x200x128xf32, #tpu.memory_space<hbm>> -> memref<1x96x128xf32, #tpu.memory_space<hbm>>
    %dma_start3A_32 = tpu.memref_squeeze %dma_start3A_31 : memref<1x96x128xf32, #tpu.memory_space<hbm>> -> memref<96x128xf32, #tpu.memory_space<hbm>>
    %dma_start3A_33 = arith.constant 0 : i32
    %dma_start3A_34 = arith.constant 0 : i32
    %dma_start3A_35 = tpu.memref_slice %arg5[%dma_start3A_33, %dma_start3A_34] : memref<200x128xf32, #tpu.memory_space<vmem>> -> memref<96x128xf32, #tpu.memory_space<vmem>>
    %dma_start3A_36 = arith.constant 0 : i32
    %dma_start3A_37 = arith.constant 0 : i32
    %dma_start3A_38 = tpu.memref_slice %arg2[%mul3A_2, %dma_start3A_36, %dma_start3A_37] : memref<1024x200x128xf32, #tpu.memory_space<hbm>> -> memref<1x96x128xf32, #tpu.memory_space<hbm>>
    %dma_start3A_39 = tpu.memref_squeeze %dma_start3A_38 : memref<1x96x128xf32, #tpu.memory_space<hbm>> -> memref<96x128xf32, #tpu.memory_space<hbm>>
    tpu.enqueue_dma source(%dma_start3A_39 : memref<96x128xf32, #tpu.memory_space<hbm>>) target(%dma_start3A_35 : memref<96x128xf32, #tpu.memory_space<vmem>>) target_semaphore(%arg11 : memref<!tpu.dma_semaphore, #tpu.memory_space<semaphore_mem>>)
    %dma_start3A_40 = arith.constant 96 : i32
    %dma_start3A_41 = arith.constant 0 : i32
    %dma_start3A_42 = tpu.memref_slice %arg5[%dma_start3A_40, %dma_start3A_41] : memref<200x128xf32, #tpu.memory_space<vmem>> -> memref<104x128xf32, #tpu.memory_space<vmem>>
    %dma_start3A_43 = arith.constant 96 : i32
    %dma_start3A_44 = arith.constant 0 : i32
    %dma_start3A_45 = tpu.memref_slice %arg2[%mul3A_2, %dma_start3A_43, %dma_start3A_44] : memref<1024x200x128xf32, #tpu.memory_space<hbm>> -> memref<1x104x128xf32, #tpu.memory_space<hbm>>
    %dma_start3A_46 = tpu.memref_squeeze %dma_start3A_45 : memref<1x104x128xf32, #tpu.memory_space<hbm>> -> memref<104x128xf32, #tpu.memory_space<hbm>>
    %dma_start3A_47 = arith.constant 96 : i32
    %dma_start3A_48 = arith.constant 0 : i32
    %dma_start3A_49 = tpu.memref_slice %arg5[%dma_start3A_47, %dma_start3A_48] : memref<200x128xf32, #tpu.memory_space<vmem>> -> memref<104x128xf32, #tpu.memory_space<vmem>>
    %dma_start3A_50 = arith.constant 96 : i32
    %dma_start3A_51 = arith.constant 0 : i32
    %dma_start3A_52 = tpu.memref_slice %arg2[%mul3A_2, %dma_start3A_50, %dma_start3A_51] : memref<1024x200x128xf32, #tpu.memory_space<hbm>> -> memref<1x104x128xf32, #tpu.memory_space<hbm>>
    %dma_start3A_53 = tpu.memref_squeeze %dma_start3A_52 : memref<1x104x128xf32, #tpu.memory_space<hbm>> -> memref<104x128xf32, #tpu.memory_space<hbm>>
    tpu.enqueue_dma source(%dma_start3A_53 : memref<104x128xf32, #tpu.memory_space<hbm>>) target(%dma_start3A_49 : memref<104x128xf32, #tpu.memory_space<vmem>>) target_semaphore(%arg13 : memref<!tpu.dma_semaphore, #tpu.memory_space<semaphore_mem>>)
    %dma_start3A_54 = arith.constant 0 : i32
    %dma_start3A_55 = arith.constant 0 : i32
    %dma_start3A_56 = tpu.memref_slice %arg3[%dma_start3A_54, %mul3A_2, %dma_start3A_55] : memref<50x1024x128xi32, #tpu.memory_space<hbm>> -> memref<50x1x128xi32, #tpu.memory_space<hbm>>
    %dma_start3A_57 = tpu.memref_squeeze %dma_start3A_56 : memref<50x1x128xi32, #tpu.memory_space<hbm>> -> memref<50x128xi32, #tpu.memory_space<hbm>>
    %dma_start3A_58 = arith.constant 0 : i32
    %dma_start3A_59 = arith.constant 0 : i32
    %dma_start3A_60 = tpu.memref_slice %arg3[%dma_start3A_58, %mul3A_2, %dma_start3A_59] : memref<50x1024x128xi32, #tpu.memory_space<hbm>> -> memref<50x1x128xi32, #tpu.memory_space<hbm>>
    %dma_start3A_61 = tpu.memref_squeeze %dma_start3A_60 : memref<50x1x128xi32, #tpu.memory_space<hbm>> -> memref<50x128xi32, #tpu.memory_space<hbm>>
    tpu.enqueue_dma source(%dma_start3A_61 : memref<50x128xi32, #tpu.memory_space<hbm>>) target(%arg7 : memref<50x128xi32, #tpu.memory_space<vmem>>) target_semaphore(%arg15 : memref<!tpu.dma_semaphore, #tpu.memory_space<semaphore_mem>>)
    %scan3A = arith.constant 0 : i32
    %scan3A_62 = arith.constant 0 : i32
    %scan3A_63 = arith.constant 16 : i32
    %scan3A_64 = arith.addi %scan3A_62, %scan3A_63 : i32
    %scan3A_65 = arith.constant 1 : i32
    scf.for %scan3A_89 = %scan3A_62 to %scan3A_64 step %scan3A_65  : i32 {
      %mul3A_90 = arith.constant 2 : i32
      %mul3A_91 = arith.muli %mul3A_90, %scan3A_89 : i32
      %add3A_92 = arith.addi %mul3A_2, %mul3A_91 : i32
      %add3A_93 = arith.constant 0 : i32
      %add3A_94 = arith.addi %add3A_92, %add3A_93 : i32
      %add3A_95 = arith.constant 0 : i32
      %add3A_96 = arith.addi %mul3A_91, %add3A_95 : i32
      %add3A_97 = arith.constant 1 : i32
      %add3A_98 = arith.addi %add3A_96, %add3A_97 : i32
      %lt3A = arith.constant 32 : i32
      %lt3A_99 = arith.cmpi slt, %add3A_98, %lt3A : i32
      %convert_element_type3A = arith.extui %lt3A_99 : i1 to i32
      %cond3A = arith.constant 0 : i32
      %cond3A_100 = arith.cmpi ne, %convert_element_type3A, %cond3A : i32
      scf.if %cond3A_100 {
        %add3A_222 = arith.addi %mul3A_2, %add3A_98 : i32
        %dma_start3A_223 = arith.constant 0 : i32
        %dma_start3A_224 = arith.constant 0 : i32
        %dma_start3A_225 = tpu.memref_slice %arg6[%dma_start3A_223, %dma_start3A_224] : memref<200x128xf32, #tpu.memory_space<vmem>> -> memref<96x128xf32, #tpu.memory_space<vmem>>
        %dma_start3A_226 = arith.constant 0 : i32
        %dma_start3A_227 = arith.constant 0 : i32
        %dma_start3A_228 = tpu.memref_slice %arg2[%add3A_222, %dma_start3A_226, %dma_start3A_227] : memref<1024x200x128xf32, #tpu.memory_space<hbm>> -> memref<1x96x128xf32, #tpu.memory_space<hbm>>
        %dma_start3A_229 = tpu.memref_squeeze %dma_start3A_228 : memref<1x96x128xf32, #tpu.memory_space<hbm>> -> memref<96x128xf32, #tpu.memory_space<hbm>>
        %dma_start3A_230 = arith.constant 0 : i32
        %dma_start3A_231 = arith.constant 0 : i32
        %dma_start3A_232 = tpu.memref_slice %arg6[%dma_start3A_230, %dma_start3A_231] : memref<200x128xf32, #tpu.memory_space<vmem>> -> memref<96x128xf32, #tpu.memory_space<vmem>>
        %dma_start3A_233 = arith.constant 0 : i32
        %dma_start3A_234 = arith.constant 0 : i32
        %dma_start3A_235 = tpu.memref_slice %arg2[%add3A_222, %dma_start3A_233, %dma_start3A_234] : memref<1024x200x128xf32, #tpu.memory_space<hbm>> -> memref<1x96x128xf32, #tpu.memory_space<hbm>>
        %dma_start3A_236 = tpu.memref_squeeze %dma_start3A_235 : memref<1x96x128xf32, #tpu.memory_space<hbm>> -> memref<96x128xf32, #tpu.memory_space<hbm>>
        tpu.enqueue_dma source(%dma_start3A_236 : memref<96x128xf32, #tpu.memory_space<hbm>>) target(%dma_start3A_232 : memref<96x128xf32, #tpu.memory_space<vmem>>) target_semaphore(%arg12 : memref<!tpu.dma_semaphore, #tpu.memory_space<semaphore_mem>>)
        %dma_start3A_237 = arith.constant 96 : i32
        %dma_start3A_238 = arith.constant 0 : i32
        %dma_start3A_239 = tpu.memref_slice %arg6[%dma_start3A_237, %dma_start3A_238] : memref<200x128xf32, #tpu.memory_space<vmem>> -> memref<104x128xf32, #tpu.memory_space<vmem>>
        %dma_start3A_240 = arith.constant 96 : i32
        %dma_start3A_241 = arith.constant 0 : i32
        %dma_start3A_242 = tpu.memref_slice %arg2[%add3A_222, %dma_start3A_240, %dma_start3A_241] : memref<1024x200x128xf32, #tpu.memory_space<hbm>> -> memref<1x104x128xf32, #tpu.memory_space<hbm>>
        %dma_start3A_243 = tpu.memref_squeeze %dma_start3A_242 : memref<1x104x128xf32, #tpu.memory_space<hbm>> -> memref<104x128xf32, #tpu.memory_space<hbm>>
        %dma_start3A_244 = arith.constant 96 : i32
        %dma_start3A_245 = arith.constant 0 : i32
        %dma_start3A_246 = tpu.memref_slice %arg6[%dma_start3A_244, %dma_start3A_245] : memref<200x128xf32, #tpu.memory_space<vmem>> -> memref<104x128xf32, #tpu.memory_space<vmem>>
        %dma_start3A_247 = arith.constant 96 : i32
        %dma_start3A_248 = arith.constant 0 : i32
        %dma_start3A_249 = tpu.memref_slice %arg2[%add3A_222, %dma_start3A_247, %dma_start3A_248] : memref<1024x200x128xf32, #tpu.memory_space<hbm>> -> memref<1x104x128xf32, #tpu.memory_space<hbm>>
        %dma_start3A_250 = tpu.memref_squeeze %dma_start3A_249 : memref<1x104x128xf32, #tpu.memory_space<hbm>> -> memref<104x128xf32, #tpu.memory_space<hbm>>
        tpu.enqueue_dma source(%dma_start3A_250 : memref<104x128xf32, #tpu.memory_space<hbm>>) target(%dma_start3A_246 : memref<104x128xf32, #tpu.memory_space<vmem>>) target_semaphore(%arg14 : memref<!tpu.dma_semaphore, #tpu.memory_space<semaphore_mem>>)
        %dma_start3A_251 = arith.constant 0 : i32
        %dma_start3A_252 = arith.constant 0 : i32
        %dma_start3A_253 = tpu.memref_slice %arg3[%dma_start3A_251, %add3A_222, %dma_start3A_252] : memref<50x1024x128xi32, #tpu.memory_space<hbm>> -> memref<50x1x128xi32, #tpu.memory_space<hbm>>
        %dma_start3A_254 = tpu.memref_squeeze %dma_start3A_253 : memref<50x1x128xi32, #tpu.memory_space<hbm>> -> memref<50x128xi32, #tpu.memory_space<hbm>>
        %dma_start3A_255 = arith.constant 0 : i32
        %dma_start3A_256 = arith.constant 0 : i32
        %dma_start3A_257 = tpu.memref_slice %arg3[%dma_start3A_255, %add3A_222, %dma_start3A_256] : memref<50x1024x128xi32, #tpu.memory_space<hbm>> -> memref<50x1x128xi32, #tpu.memory_space<hbm>>
        %dma_start3A_258 = tpu.memref_squeeze %dma_start3A_257 : memref<50x1x128xi32, #tpu.memory_space<hbm>> -> memref<50x128xi32, #tpu.memory_space<hbm>>
        tpu.enqueue_dma source(%dma_start3A_258 : memref<50x128xi32, #tpu.memory_space<hbm>>) target(%arg8 : memref<50x128xi32, #tpu.memory_space<vmem>>) target_semaphore(%arg16 : memref<!tpu.dma_semaphore, #tpu.memory_space<semaphore_mem>>)
      } else {
      }
      %gt3A = arith.constant 0 : i32
      %gt3A_101 = arith.cmpi sgt, %scan3A_89, %gt3A : i32
      %convert_element_type3A_102 = arith.extui %gt3A_101 : i1 to i32
      %cond3A_103 = arith.constant 0 : i32
      %cond3A_104 = arith.cmpi ne, %convert_element_type3A_102, %cond3A_103 : i32
      scf.if %cond3A_104 {
        %sub3A_222 = arith.constant 2 : i32
        %sub3A_223 = arith.subi %add3A_94, %sub3A_222 : i32
        %dma_wait3A_224 = arith.constant 0 : i32
        %dma_wait3A_225 = arith.constant 0 : i32
        %dma_wait3A_226 = tpu.memref_slice %arg4[%dma_wait3A_224, %sub3A_223, %dma_wait3A_225] : memref<50x1024x128xf32, #tpu.memory_space<hbm>> -> memref<50x1x128xf32, #tpu.memory_space<hbm>>
        %dma_wait3A_227 = tpu.memref_squeeze %dma_wait3A_226 : memref<50x1x128xf32, #tpu.memory_space<hbm>> -> memref<50x128xf32, #tpu.memory_space<hbm>>
        %dma_wait3A_228 = arith.constant 0 : i32
        %dma_wait3A_229 = arith.constant 0 : i32
        %dma_wait3A_230 = tpu.memref_slice %arg4[%dma_wait3A_228, %sub3A_223, %dma_wait3A_229] : memref<50x1024x128xf32, #tpu.memory_space<hbm>> -> memref<50x1x128xf32, #tpu.memory_space<hbm>>
        %dma_wait3A_231 = tpu.memref_squeeze %dma_wait3A_230 : memref<50x1x128xf32, #tpu.memory_space<hbm>> -> memref<50x128xf32, #tpu.memory_space<hbm>>
        tpu.wait_dma2 semaphore(%arg17 : memref<!tpu.dma_semaphore, #tpu.memory_space<semaphore_mem>>) src(%arg9 : memref<50x128xf32, #tpu.memory_space<vmem>>) dst(%dma_wait3A_231 : memref<50x128xf32, #tpu.memory_space<hbm>>)
      } else {
      }
      %dma_wait3A_105 = arith.constant 0 : i32
      %dma_wait3A_106 = arith.constant 0 : i32
      %dma_wait3A_107 = tpu.memref_slice %arg5[%dma_wait3A_105, %dma_wait3A_106] : memref<200x128xf32, #tpu.memory_space<vmem>> -> memref<96x128xf32, #tpu.memory_space<vmem>>
      %dma_wait3A_108 = arith.constant 0 : i32
      %dma_wait3A_109 = arith.constant 0 : i32
      %dma_wait3A_110 = tpu.memref_slice %arg2[%add3A_94, %dma_wait3A_108, %dma_wait3A_109] : memref<1024x200x128xf32, #tpu.memory_space<hbm>> -> memref<1x96x128xf32, #tpu.memory_space<hbm>>
      %dma_wait3A_111 = tpu.memref_squeeze %dma_wait3A_110 : memref<1x96x128xf32, #tpu.memory_space<hbm>> -> memref<96x128xf32, #tpu.memory_space<hbm>>
      %dma_wait3A_112 = arith.constant 0 : i32
      %dma_wait3A_113 = arith.constant 0 : i32
      %dma_wait3A_114 = tpu.memref_slice %arg5[%dma_wait3A_112, %dma_wait3A_113] : memref<200x128xf32, #tpu.memory_space<vmem>> -> memref<96x128xf32, #tpu.memory_space<vmem>>
      %dma_wait3A_115 = arith.constant 0 : i32
      %dma_wait3A_116 = arith.constant 0 : i32
      %dma_wait3A_117 = tpu.memref_slice %arg2[%add3A_94, %dma_wait3A_115, %dma_wait3A_116] : memref<1024x200x128xf32, #tpu.memory_space<hbm>> -> memref<1x96x128xf32, #tpu.memory_space<hbm>>
      %dma_wait3A_118 = tpu.memref_squeeze %dma_wait3A_117 : memref<1x96x128xf32, #tpu.memory_space<hbm>> -> memref<96x128xf32, #tpu.memory_space<hbm>>
      tpu.wait_dma2 semaphore(%arg11 : memref<!tpu.dma_semaphore, #tpu.memory_space<semaphore_mem>>) src(%dma_wait3A_118 : memref<96x128xf32, #tpu.memory_space<hbm>>) dst(%dma_wait3A_114 : memref<96x128xf32, #tpu.memory_space<vmem>>)
      %dma_wait3A_119 = arith.constant 96 : i32
      %dma_wait3A_120 = arith.constant 0 : i32
      %dma_wait3A_121 = tpu.memref_slice %arg5[%dma_wait3A_119, %dma_wait3A_120] : memref<200x128xf32, #tpu.memory_space<vmem>> -> memref<104x128xf32, #tpu.memory_space<vmem>>
      %dma_wait3A_122 = arith.constant 96 : i32
      %dma_wait3A_123 = arith.constant 0 : i32
      %dma_wait3A_124 = tpu.memref_slice %arg2[%add3A_94, %dma_wait3A_122, %dma_wait3A_123] : memref<1024x200x128xf32, #tpu.memory_space<hbm>> -> memref<1x104x128xf32, #tpu.memory_space<hbm>>
      %dma_wait3A_125 = tpu.memref_squeeze %dma_wait3A_124 : memref<1x104x128xf32, #tpu.memory_space<hbm>> -> memref<104x128xf32, #tpu.memory_space<hbm>>
      %dma_wait3A_126 = arith.constant 96 : i32
      %dma_wait3A_127 = arith.constant 0 : i32
      %dma_wait3A_128 = tpu.memref_slice %arg5[%dma_wait3A_126, %dma_wait3A_127] : memref<200x128xf32, #tpu.memory_space<vmem>> -> memref<104x128xf32, #tpu.memory_space<vmem>>
      %dma_wait3A_129 = arith.constant 96 : i32
      %dma_wait3A_130 = arith.constant 0 : i32
      %dma_wait3A_131 = tpu.memref_slice %arg2[%add3A_94, %dma_wait3A_129, %dma_wait3A_130] : memref<1024x200x128xf32, #tpu.memory_space<hbm>> -> memref<1x104x128xf32, #tpu.memory_space<hbm>>
      %dma_wait3A_132 = tpu.memref_squeeze %dma_wait3A_131 : memref<1x104x128xf32, #tpu.memory_space<hbm>> -> memref<104x128xf32, #tpu.memory_space<hbm>>
      tpu.wait_dma2 semaphore(%arg13 : memref<!tpu.dma_semaphore, #tpu.memory_space<semaphore_mem>>) src(%dma_wait3A_132 : memref<104x128xf32, #tpu.memory_space<hbm>>) dst(%dma_wait3A_128 : memref<104x128xf32, #tpu.memory_space<vmem>>)
      %dma_wait3A_133 = arith.constant 0 : i32
      %dma_wait3A_134 = arith.constant 0 : i32
      %dma_wait3A_135 = tpu.memref_slice %arg3[%dma_wait3A_133, %add3A_94, %dma_wait3A_134] : memref<50x1024x128xi32, #tpu.memory_space<hbm>> -> memref<50x1x128xi32, #tpu.memory_space<hbm>>
      %dma_wait3A_136 = tpu.memref_squeeze %dma_wait3A_135 : memref<50x1x128xi32, #tpu.memory_space<hbm>> -> memref<50x128xi32, #tpu.memory_space<hbm>>
      %dma_wait3A_137 = arith.constant 0 : i32
      %dma_wait3A_138 = arith.constant 0 : i32
      %dma_wait3A_139 = tpu.memref_slice %arg3[%dma_wait3A_137, %add3A_94, %dma_wait3A_138] : memref<50x1024x128xi32, #tpu.memory_space<hbm>> -> memref<50x1x128xi32, #tpu.memory_space<hbm>>
      %dma_wait3A_140 = tpu.memref_squeeze %dma_wait3A_139 : memref<50x1x128xi32, #tpu.memory_space<hbm>> -> memref<50x128xi32, #tpu.memory_space<hbm>>
      tpu.wait_dma2 semaphore(%arg15 : memref<!tpu.dma_semaphore, #tpu.memory_space<semaphore_mem>>) src(%dma_wait3A_140 : memref<50x128xi32, #tpu.memory_space<hbm>>) dst(%arg7 : memref<50x128xi32, #tpu.memory_space<vmem>>)
      %scan3A_141 = arith.constant 0 : i32
      %scan3A_142 = arith.constant 0 : i32
      %scan3A_143 = arith.constant 50 : i32
      %scan3A_144 = arith.addi %scan3A_142, %scan3A_143 : i32
      %scan3A_145 = arith.constant 1 : i32
      scf.for %scan3A_222 = %scan3A_142 to %scan3A_144 step %scan3A_145  : i32 {
        %get3A = arith.index_cast %scan3A_222 : i32 to index
        %get3A_223 = arith.constant 0 : index
        %get3A_224 = tpu.vector_load %arg7[%get3A, %get3A_223] {strides = array<i32>} : memref<50x128xi32, #tpu.memory_space<vmem>>, vector<16xi32>,
        %gather3A = tpu.vector_load_idx %arg5[%get3A_224, %add3A_5] : memref<200x128xf32, #tpu.memory_space<vmem>>[vector<16xi32>, vector<16xi32>], vector<16xf32>,
        %swap3A = arith.index_cast %scan3A_222 : i32 to index
        %swap3A_225 = arith.constant 0 : index
        %swap3A_226 = tpu.vector_load %arg9[%swap3A, %swap3A_225] {strides = array<i32>} : memref<50x128xf32, #tpu.memory_space<vmem>>, vector<16xf32>,
        tpu.vector_store %arg9[%swap3A, %swap3A_225], %gather3A {strides = array<i32>} : memref<50x128xf32, #tpu.memory_space<vmem>>, vector<16xf32>,
        %get3A_227 = arith.index_cast %scan3A_222 : i32 to index
        %get3A_228 = arith.constant 16 : index
        %get3A_229 = tpu.vector_load %arg7[%get3A_227, %get3A_228] {strides = array<i32>} : memref<50x128xi32, #tpu.memory_space<vmem>>, vector<16xi32>,
        %gather3A_230 = tpu.vector_load_idx %arg5[%get3A_229, %add3A_8] : memref<200x128xf32, #tpu.memory_space<vmem>>[vector<16xi32>, vector<16xi32>], vector<16xf32>,
        %swap3A_231 = arith.index_cast %scan3A_222 : i32 to index
        %swap3A_232 = arith.constant 16 : index
        %swap3A_233 = tpu.vector_load %arg9[%swap3A_231, %swap3A_232] {strides = array<i32>} : memref<50x128xf32, #tpu.memory_space<vmem>>, vector<16xf32>,
        tpu.vector_store %arg9[%swap3A_231, %swap3A_232], %gather3A_230 {strides = array<i32>} : memref<50x128xf32, #tpu.memory_space<vmem>>, vector<16xf32>,
        %get3A_234 = arith.index_cast %scan3A_222 : i32 to index
        %get3A_235 = arith.constant 32 : index
        %get3A_236 = tpu.vector_load %arg7[%get3A_234, %get3A_235] {strides = array<i32>} : memref<50x128xi32, #tpu.memory_space<vmem>>, vector<16xi32>,
        %gather3A_237 = tpu.vector_load_idx %arg5[%get3A_236, %add3A_11] : memref<200x128xf32, #tpu.memory_space<vmem>>[vector<16xi32>, vector<16xi32>], vector<16xf32>,
        %swap3A_238 = arith.index_cast %scan3A_222 : i32 to index
        %swap3A_239 = arith.constant 32 : index
        %swap3A_240 = tpu.vector_load %arg9[%swap3A_238, %swap3A_239] {strides = array<i32>} : memref<50x128xf32, #tpu.memory_space<vmem>>, vector<16xf32>,
        tpu.vector_store %arg9[%swap3A_238, %swap3A_239], %gather3A_237 {strides = array<i32>} : memref<50x128xf32, #tpu.memory_space<vmem>>, vector<16xf32>,
        %get3A_241 = arith.index_cast %scan3A_222 : i32 to index
        %get3A_242 = arith.constant 48 : index
        %get3A_243 = tpu.vector_load %arg7[%get3A_241, %get3A_242] {strides = array<i32>} : memref<50x128xi32, #tpu.memory_space<vmem>>, vector<16xi32>,
        %gather3A_244 = tpu.vector_load_idx %arg5[%get3A_243, %add3A_14] : memref<200x128xf32, #tpu.memory_space<vmem>>[vector<16xi32>, vector<16xi32>], vector<16xf32>,
        %swap3A_245 = arith.index_cast %scan3A_222 : i32 to index
        %swap3A_246 = arith.constant 48 : index
        %swap3A_247 = tpu.vector_load %arg9[%swap3A_245, %swap3A_246] {strides = array<i32>} : memref<50x128xf32, #tpu.memory_space<vmem>>, vector<16xf32>,
        tpu.vector_store %arg9[%swap3A_245, %swap3A_246], %gather3A_244 {strides = array<i32>} : memref<50x128xf32, #tpu.memory_space<vmem>>, vector<16xf32>,
        %get3A_248 = arith.index_cast %scan3A_222 : i32 to index
        %get3A_249 = arith.constant 64 : index
        %get3A_250 = tpu.vector_load %arg7[%get3A_248, %get3A_249] {strides = array<i32>} : memref<50x128xi32, #tpu.memory_space<vmem>>, vector<16xi32>,
        %gather3A_251 = tpu.vector_load_idx %arg5[%get3A_250, %add3A_17] : memref<200x128xf32, #tpu.memory_space<vmem>>[vector<16xi32>, vector<16xi32>], vector<16xf32>,
        %swap3A_252 = arith.index_cast %scan3A_222 : i32 to index
        %swap3A_253 = arith.constant 64 : index
        %swap3A_254 = tpu.vector_load %arg9[%swap3A_252, %swap3A_253] {strides = array<i32>} : memref<50x128xf32, #tpu.memory_space<vmem>>, vector<16xf32>,
        tpu.vector_store %arg9[%swap3A_252, %swap3A_253], %gather3A_251 {strides = array<i32>} : memref<50x128xf32, #tpu.memory_space<vmem>>, vector<16xf32>,
        %get3A_255 = arith.index_cast %scan3A_222 : i32 to index
        %get3A_256 = arith.constant 80 : index
        %get3A_257 = tpu.vector_load %arg7[%get3A_255, %get3A_256] {strides = array<i32>} : memref<50x128xi32, #tpu.memory_space<vmem>>, vector<16xi32>,
        %gather3A_258 = tpu.vector_load_idx %arg5[%get3A_257, %add3A_20] : memref<200x128xf32, #tpu.memory_space<vmem>>[vector<16xi32>, vector<16xi32>], vector<16xf32>,
        %swap3A_259 = arith.index_cast %scan3A_222 : i32 to index
        %swap3A_260 = arith.constant 80 : index
        %swap3A_261 = tpu.vector_load %arg9[%swap3A_259, %swap3A_260] {strides = array<i32>} : memref<50x128xf32, #tpu.memory_space<vmem>>, vector<16xf32>,
        tpu.vector_store %arg9[%swap3A_259, %swap3A_260], %gather3A_258 {strides = array<i32>} : memref<50x128xf32, #tpu.memory_space<vmem>>, vector<16xf32>,
        %get3A_262 = arith.index_cast %scan3A_222 : i32 to index
        %get3A_263 = arith.constant 96 : index
        %get3A_264 = tpu.vector_load %arg7[%get3A_262, %get3A_263] {strides = array<i32>} : memref<50x128xi32, #tpu.memory_space<vmem>>, vector<16xi32>,
        %gather3A_265 = tpu.vector_load_idx %arg5[%get3A_264, %add3A_23] : memref<200x128xf32, #tpu.memory_space<vmem>>[vector<16xi32>, vector<16xi32>], vector<16xf32>,
        %swap3A_266 = arith.index_cast %scan3A_222 : i32 to index
        %swap3A_267 = arith.constant 96 : index
        %swap3A_268 = tpu.vector_load %arg9[%swap3A_266, %swap3A_267] {strides = array<i32>} : memref<50x128xf32, #tpu.memory_space<vmem>>, vector<16xf32>,
        tpu.vector_store %arg9[%swap3A_266, %swap3A_267], %gather3A_265 {strides = array<i32>} : memref<50x128xf32, #tpu.memory_space<vmem>>, vector<16xf32>,
        %get3A_269 = arith.index_cast %scan3A_222 : i32 to index
        %get3A_270 = arith.constant 112 : index
        %get3A_271 = tpu.vector_load %arg7[%get3A_269, %get3A_270] {strides = array<i32>} : memref<50x128xi32, #tpu.memory_space<vmem>>, vector<16xi32>,
        %gather3A_272 = tpu.vector_load_idx %arg5[%get3A_271, %add3A_26] : memref<200x128xf32, #tpu.memory_space<vmem>>[vector<16xi32>, vector<16xi32>], vector<16xf32>,
        %swap3A_273 = arith.index_cast %scan3A_222 : i32 to index
        %swap3A_274 = arith.constant 112 : index
        %swap3A_275 = tpu.vector_load %arg9[%swap3A_273, %swap3A_274] {strides = array<i32>} : memref<50x128xf32, #tpu.memory_space<vmem>>, vector<16xf32>,
        tpu.vector_store %arg9[%swap3A_273, %swap3A_274], %gather3A_272 {strides = array<i32>} : memref<50x128xf32, #tpu.memory_space<vmem>>, vector<16xf32>,
      }
      %scan3A_146 = arith.constant 50 : i32
      %dma_start3A_147 = arith.constant 0 : i32
      %dma_start3A_148 = arith.constant 0 : i32
      %dma_start3A_149 = tpu.memref_slice %arg4[%dma_start3A_147, %add3A_94, %dma_start3A_148] : memref<50x1024x128xf32, #tpu.memory_space<hbm>> -> memref<50x1x128xf32, #tpu.memory_space<hbm>>
      %dma_start3A_150 = tpu.memref_squeeze %dma_start3A_149 : memref<50x1x128xf32, #tpu.memory_space<hbm>> -> memref<50x128xf32, #tpu.memory_space<hbm>>
      %dma_start3A_151 = arith.constant 0 : i32
      %dma_start3A_152 = arith.constant 0 : i32
      %dma_start3A_153 = tpu.memref_slice %arg4[%dma_start3A_151, %add3A_94, %dma_start3A_152] : memref<50x1024x128xf32, #tpu.memory_space<hbm>> -> memref<50x1x128xf32, #tpu.memory_space<hbm>>
      %dma_start3A_154 = tpu.memref_squeeze %dma_start3A_153 : memref<50x1x128xf32, #tpu.memory_space<hbm>> -> memref<50x128xf32, #tpu.memory_space<hbm>>
      tpu.enqueue_dma source(%arg9 : memref<50x128xf32, #tpu.memory_space<vmem>>) target(%dma_start3A_154 : memref<50x128xf32, #tpu.memory_space<hbm>>) target_semaphore(%arg17 : memref<!tpu.dma_semaphore, #tpu.memory_space<semaphore_mem>>)
      %add3A_155 = arith.addi %mul3A_2, %mul3A_91 : i32
      %add3A_156 = arith.constant 1 : i32
      %add3A_157 = arith.addi %add3A_155, %add3A_156 : i32
      %add3A_158 = arith.constant 1 : i32
      %add3A_159 = arith.addi %mul3A_91, %add3A_158 : i32
      %add3A_160 = arith.constant 1 : i32
      %add3A_161 = arith.addi %add3A_159, %add3A_160 : i32
      %lt3A_162 = arith.constant 32 : i32
      %lt3A_163 = arith.cmpi slt, %add3A_161, %lt3A_162 : i32
      %convert_element_type3A_164 = arith.extui %lt3A_163 : i1 to i32
      %cond3A_165 = arith.constant 0 : i32
      %cond3A_166 = arith.cmpi ne, %convert_element_type3A_164, %cond3A_165 : i32
      scf.if %cond3A_166 {
        %add3A_222 = arith.addi %mul3A_2, %add3A_161 : i32
        %dma_start3A_223 = arith.constant 0 : i32
        %dma_start3A_224 = arith.constant 0 : i32
        %dma_start3A_225 = tpu.memref_slice %arg5[%dma_start3A_223, %dma_start3A_224] : memref<200x128xf32, #tpu.memory_space<vmem>> -> memref<96x128xf32, #tpu.memory_space<vmem>>
        %dma_start3A_226 = arith.constant 0 : i32
        %dma_start3A_227 = arith.constant 0 : i32
        %dma_start3A_228 = tpu.memref_slice %arg2[%add3A_222, %dma_start3A_226, %dma_start3A_227] : memref<1024x200x128xf32, #tpu.memory_space<hbm>> -> memref<1x96x128xf32, #tpu.memory_space<hbm>>
        %dma_start3A_229 = tpu.memref_squeeze %dma_start3A_228 : memref<1x96x128xf32, #tpu.memory_space<hbm>> -> memref<96x128xf32, #tpu.memory_space<hbm>>
        %dma_start3A_230 = arith.constant 0 : i32
        %dma_start3A_231 = arith.constant 0 : i32
        %dma_start3A_232 = tpu.memref_slice %arg5[%dma_start3A_230, %dma_start3A_231] : memref<200x128xf32, #tpu.memory_space<vmem>> -> memref<96x128xf32, #tpu.memory_space<vmem>>
        %dma_start3A_233 = arith.constant 0 : i32
        %dma_start3A_234 = arith.constant 0 : i32
        %dma_start3A_235 = tpu.memref_slice %arg2[%add3A_222, %dma_start3A_233, %dma_start3A_234] : memref<1024x200x128xf32, #tpu.memory_space<hbm>> -> memref<1x96x128xf32, #tpu.memory_space<hbm>>
        %dma_start3A_236 = tpu.memref_squeeze %dma_start3A_235 : memref<1x96x128xf32, #tpu.memory_space<hbm>> -> memref<96x128xf32, #tpu.memory_space<hbm>>
        tpu.enqueue_dma source(%dma_start3A_236 : memref<96x128xf32, #tpu.memory_space<hbm>>) target(%dma_start3A_232 : memref<96x128xf32, #tpu.memory_space<vmem>>) target_semaphore(%arg11 : memref<!tpu.dma_semaphore, #tpu.memory_space<semaphore_mem>>)
        %dma_start3A_237 = arith.constant 96 : i32
        %dma_start3A_238 = arith.constant 0 : i32
        %dma_start3A_239 = tpu.memref_slice %arg5[%dma_start3A_237, %dma_start3A_238] : memref<200x128xf32, #tpu.memory_space<vmem>> -> memref<104x128xf32, #tpu.memory_space<vmem>>
        %dma_start3A_240 = arith.constant 96 : i32
        %dma_start3A_241 = arith.constant 0 : i32
        %dma_start3A_242 = tpu.memref_slice %arg2[%add3A_222, %dma_start3A_240, %dma_start3A_241] : memref<1024x200x128xf32, #tpu.memory_space<hbm>> -> memref<1x104x128xf32, #tpu.memory_space<hbm>>
        %dma_start3A_243 = tpu.memref_squeeze %dma_start3A_242 : memref<1x104x128xf32, #tpu.memory_space<hbm>> -> memref<104x128xf32, #tpu.memory_space<hbm>>
        %dma_start3A_244 = arith.constant 96 : i32
        %dma_start3A_245 = arith.constant 0 : i32
        %dma_start3A_246 = tpu.memref_slice %arg5[%dma_start3A_244, %dma_start3A_245] : memref<200x128xf32, #tpu.memory_space<vmem>> -> memref<104x128xf32, #tpu.memory_space<vmem>>
        %dma_start3A_247 = arith.constant 96 : i32
        %dma_start3A_248 = arith.constant 0 : i32
        %dma_start3A_249 = tpu.memref_slice %arg2[%add3A_222, %dma_start3A_247, %dma_start3A_248] : memref<1024x200x128xf32, #tpu.memory_space<hbm>> -> memref<1x104x128xf32, #tpu.memory_space<hbm>>
        %dma_start3A_250 = tpu.memref_squeeze %dma_start3A_249 : memref<1x104x128xf32, #tpu.memory_space<hbm>> -> memref<104x128xf32, #tpu.memory_space<hbm>>
        tpu.enqueue_dma source(%dma_start3A_250 : memref<104x128xf32, #tpu.memory_space<hbm>>) target(%dma_start3A_246 : memref<104x128xf32, #tpu.memory_space<vmem>>) target_semaphore(%arg13 : memref<!tpu.dma_semaphore, #tpu.memory_space<semaphore_mem>>)
        %dma_start3A_251 = arith.constant 0 : i32
        %dma_start3A_252 = arith.constant 0 : i32
        %dma_start3A_253 = tpu.memref_slice %arg3[%dma_start3A_251, %add3A_222, %dma_start3A_252] : memref<50x1024x128xi32, #tpu.memory_space<hbm>> -> memref<50x1x128xi32, #tpu.memory_space<hbm>>
        %dma_start3A_254 = tpu.memref_squeeze %dma_start3A_253 : memref<50x1x128xi32, #tpu.memory_space<hbm>> -> memref<50x128xi32, #tpu.memory_space<hbm>>
        %dma_start3A_255 = arith.constant 0 : i32
        %dma_start3A_256 = arith.constant 0 : i32
        %dma_start3A_257 = tpu.memref_slice %arg3[%dma_start3A_255, %add3A_222, %dma_start3A_256] : memref<50x1024x128xi32, #tpu.memory_space<hbm>> -> memref<50x1x128xi32, #tpu.memory_space<hbm>>
        %dma_start3A_258 = tpu.memref_squeeze %dma_start3A_257 : memref<50x1x128xi32, #tpu.memory_space<hbm>> -> memref<50x128xi32, #tpu.memory_space<hbm>>
        tpu.enqueue_dma source(%dma_start3A_258 : memref<50x128xi32, #tpu.memory_space<hbm>>) target(%arg7 : memref<50x128xi32, #tpu.memory_space<vmem>>) target_semaphore(%arg15 : memref<!tpu.dma_semaphore, #tpu.memory_space<semaphore_mem>>)
      } else {
      }
      %gt3A_167 = arith.constant 0 : i32
      %gt3A_168 = arith.cmpi sgt, %scan3A_89, %gt3A_167 : i32
      %convert_element_type3A_169 = arith.extui %gt3A_168 : i1 to i32
      %cond3A_170 = arith.constant 0 : i32
      %cond3A_171 = arith.cmpi ne, %convert_element_type3A_169, %cond3A_170 : i32
      scf.if %cond3A_171 {
        %sub3A_222 = arith.constant 2 : i32
        %sub3A_223 = arith.subi %add3A_157, %sub3A_222 : i32
        %dma_wait3A_224 = arith.constant 0 : i32
        %dma_wait3A_225 = arith.constant 0 : i32
        %dma_wait3A_226 = tpu.memref_slice %arg4[%dma_wait3A_224, %sub3A_223, %dma_wait3A_225] : memref<50x1024x128xf32, #tpu.memory_space<hbm>> -> memref<50x1x128xf32, #tpu.memory_space<hbm>>
        %dma_wait3A_227 = tpu.memref_squeeze %dma_wait3A_226 : memref<50x1x128xf32, #tpu.memory_space<hbm>> -> memref<50x128xf32, #tpu.memory_space<hbm>>
        %dma_wait3A_228 = arith.constant 0 : i32
        %dma_wait3A_229 = arith.constant 0 : i32
        %dma_wait3A_230 = tpu.memref_slice %arg4[%dma_wait3A_228, %sub3A_223, %dma_wait3A_229] : memref<50x1024x128xf32, #tpu.memory_space<hbm>> -> memref<50x1x128xf32, #tpu.memory_space<hbm>>
        %dma_wait3A_231 = tpu.memref_squeeze %dma_wait3A_230 : memref<50x1x128xf32, #tpu.memory_space<hbm>> -> memref<50x128xf32, #tpu.memory_space<hbm>>
        tpu.wait_dma2 semaphore(%arg18 : memref<!tpu.dma_semaphore, #tpu.memory_space<semaphore_mem>>) src(%arg10 : memref<50x128xf32, #tpu.memory_space<vmem>>) dst(%dma_wait3A_231 : memref<50x128xf32, #tpu.memory_space<hbm>>)
      } else {
      }
      %dma_wait3A_172 = arith.constant 0 : i32
      %dma_wait3A_173 = arith.constant 0 : i32
      %dma_wait3A_174 = tpu.memref_slice %arg6[%dma_wait3A_172, %dma_wait3A_173] : memref<200x128xf32, #tpu.memory_space<vmem>> -> memref<96x128xf32, #tpu.memory_space<vmem>>
      %dma_wait3A_175 = arith.constant 0 : i32
      %dma_wait3A_176 = arith.constant 0 : i32
      %dma_wait3A_177 = tpu.memref_slice %arg2[%add3A_157, %dma_wait3A_175, %dma_wait3A_176] : memref<1024x200x128xf32, #tpu.memory_space<hbm>> -> memref<1x96x128xf32, #tpu.memory_space<hbm>>
      %dma_wait3A_178 = tpu.memref_squeeze %dma_wait3A_177 : memref<1x96x128xf32, #tpu.memory_space<hbm>> -> memref<96x128xf32, #tpu.memory_space<hbm>>
      %dma_wait3A_179 = arith.constant 0 : i32
      %dma_wait3A_180 = arith.constant 0 : i32
      %dma_wait3A_181 = tpu.memref_slice %arg6[%dma_wait3A_179, %dma_wait3A_180] : memref<200x128xf32, #tpu.memory_space<vmem>> -> memref<96x128xf32, #tpu.memory_space<vmem>>
      %dma_wait3A_182 = arith.constant 0 : i32
      %dma_wait3A_183 = arith.constant 0 : i32
      %dma_wait3A_184 = tpu.memref_slice %arg2[%add3A_157, %dma_wait3A_182, %dma_wait3A_183] : memref<1024x200x128xf32, #tpu.memory_space<hbm>> -> memref<1x96x128xf32, #tpu.memory_space<hbm>>
      %dma_wait3A_185 = tpu.memref_squeeze %dma_wait3A_184 : memref<1x96x128xf32, #tpu.memory_space<hbm>> -> memref<96x128xf32, #tpu.memory_space<hbm>>
      tpu.wait_dma2 semaphore(%arg12 : memref<!tpu.dma_semaphore, #tpu.memory_space<semaphore_mem>>) src(%dma_wait3A_185 : memref<96x128xf32, #tpu.memory_space<hbm>>) dst(%dma_wait3A_181 : memref<96x128xf32, #tpu.memory_space<vmem>>)
      %dma_wait3A_186 = arith.constant 96 : i32
      %dma_wait3A_187 = arith.constant 0 : i32
      %dma_wait3A_188 = tpu.memref_slice %arg6[%dma_wait3A_186, %dma_wait3A_187] : memref<200x128xf32, #tpu.memory_space<vmem>> -> memref<104x128xf32, #tpu.memory_space<vmem>>
      %dma_wait3A_189 = arith.constant 96 : i32
      %dma_wait3A_190 = arith.constant 0 : i32
      %dma_wait3A_191 = tpu.memref_slice %arg2[%add3A_157, %dma_wait3A_189, %dma_wait3A_190] : memref<1024x200x128xf32, #tpu.memory_space<hbm>> -> memref<1x104x128xf32, #tpu.memory_space<hbm>>
      %dma_wait3A_192 = tpu.memref_squeeze %dma_wait3A_191 : memref<1x104x128xf32, #tpu.memory_space<hbm>> -> memref<104x128xf32, #tpu.memory_space<hbm>>
      %dma_wait3A_193 = arith.constant 96 : i32
      %dma_wait3A_194 = arith.constant 0 : i32
      %dma_wait3A_195 = tpu.memref_slice %arg6[%dma_wait3A_193, %dma_wait3A_194] : memref<200x128xf32, #tpu.memory_space<vmem>> -> memref<104x128xf32, #tpu.memory_space<vmem>>
      %dma_wait3A_196 = arith.constant 96 : i32
      %dma_wait3A_197 = arith.constant 0 : i32
      %dma_wait3A_198 = tpu.memref_slice %arg2[%add3A_157, %dma_wait3A_196, %dma_wait3A_197] : memref<1024x200x128xf32, #tpu.memory_space<hbm>> -> memref<1x104x128xf32, #tpu.memory_space<hbm>>
      %dma_wait3A_199 = tpu.memref_squeeze %dma_wait3A_198 : memref<1x104x128xf32, #tpu.memory_space<hbm>> -> memref<104x128xf32, #tpu.memory_space<hbm>>
      tpu.wait_dma2 semaphore(%arg14 : memref<!tpu.dma_semaphore, #tpu.memory_space<semaphore_mem>>) src(%dma_wait3A_199 : memref<104x128xf32, #tpu.memory_space<hbm>>) dst(%dma_wait3A_195 : memref<104x128xf32, #tpu.memory_space<vmem>>)
      %dma_wait3A_200 = arith.constant 0 : i32
      %dma_wait3A_201 = arith.constant 0 : i32
      %dma_wait3A_202 = tpu.memref_slice %arg3[%dma_wait3A_200, %add3A_157, %dma_wait3A_201] : memref<50x1024x128xi32, #tpu.memory_space<hbm>> -> memref<50x1x128xi32, #tpu.memory_space<hbm>>
      %dma_wait3A_203 = tpu.memref_squeeze %dma_wait3A_202 : memref<50x1x128xi32, #tpu.memory_space<hbm>> -> memref<50x128xi32, #tpu.memory_space<hbm>>
      %dma_wait3A_204 = arith.constant 0 : i32
      %dma_wait3A_205 = arith.constant 0 : i32
      %dma_wait3A_206 = tpu.memref_slice %arg3[%dma_wait3A_204, %add3A_157, %dma_wait3A_205] : memref<50x1024x128xi32, #tpu.memory_space<hbm>> -> memref<50x1x128xi32, #tpu.memory_space<hbm>>
      %dma_wait3A_207 = tpu.memref_squeeze %dma_wait3A_206 : memref<50x1x128xi32, #tpu.memory_space<hbm>> -> memref<50x128xi32, #tpu.memory_space<hbm>>
      tpu.wait_dma2 semaphore(%arg16 : memref<!tpu.dma_semaphore, #tpu.memory_space<semaphore_mem>>) src(%dma_wait3A_207 : memref<50x128xi32, #tpu.memory_space<hbm>>) dst(%arg8 : memref<50x128xi32, #tpu.memory_space<vmem>>)
      %scan3A_208 = arith.constant 0 : i32
      %scan3A_209 = arith.constant 0 : i32
      %scan3A_210 = arith.constant 50 : i32
      %scan3A_211 = arith.addi %scan3A_209, %scan3A_210 : i32
      %scan3A_212 = arith.constant 1 : i32
      scf.for %scan3A_222 = %scan3A_209 to %scan3A_211 step %scan3A_212  : i32 {
        %get3A = arith.index_cast %scan3A_222 : i32 to index
        %get3A_223 = arith.constant 0 : index
        %get3A_224 = tpu.vector_load %arg8[%get3A, %get3A_223] {strides = array<i32>} : memref<50x128xi32, #tpu.memory_space<vmem>>, vector<16xi32>,
        %gather3A = tpu.vector_load_idx %arg6[%get3A_224, %add3A_5] : memref<200x128xf32, #tpu.memory_space<vmem>>[vector<16xi32>, vector<16xi32>], vector<16xf32>,
        %swap3A = arith.index_cast %scan3A_222 : i32 to index
        %swap3A_225 = arith.constant 0 : index
        %swap3A_226 = tpu.vector_load %arg10[%swap3A, %swap3A_225] {strides = array<i32>} : memref<50x128xf32, #tpu.memory_space<vmem>>, vector<16xf32>,
        tpu.vector_store %arg10[%swap3A, %swap3A_225], %gather3A {strides = array<i32>} : memref<50x128xf32, #tpu.memory_space<vmem>>, vector<16xf32>,
        %get3A_227 = arith.index_cast %scan3A_222 : i32 to index
        %get3A_228 = arith.constant 16 : index
        %get3A_229 = tpu.vector_load %arg8[%get3A_227, %get3A_228] {strides = array<i32>} : memref<50x128xi32, #tpu.memory_space<vmem>>, vector<16xi32>,
        %gather3A_230 = tpu.vector_load_idx %arg6[%get3A_229, %add3A_8] : memref<200x128xf32, #tpu.memory_space<vmem>>[vector<16xi32>, vector<16xi32>], vector<16xf32>,
        %swap3A_231 = arith.index_cast %scan3A_222 : i32 to index
        %swap3A_232 = arith.constant 16 : index
        %swap3A_233 = tpu.vector_load %arg10[%swap3A_231, %swap3A_232] {strides = array<i32>} : memref<50x128xf32, #tpu.memory_space<vmem>>, vector<16xf32>,
        tpu.vector_store %arg10[%swap3A_231, %swap3A_232], %gather3A_230 {strides = array<i32>} : memref<50x128xf32, #tpu.memory_space<vmem>>, vector<16xf32>,
        %get3A_234 = arith.index_cast %scan3A_222 : i32 to index
        %get3A_235 = arith.constant 32 : index
        %get3A_236 = tpu.vector_load %arg8[%get3A_234, %get3A_235] {strides = array<i32>} : memref<50x128xi32, #tpu.memory_space<vmem>>, vector<16xi32>,
        %gather3A_237 = tpu.vector_load_idx %arg6[%get3A_236, %add3A_11] : memref<200x128xf32, #tpu.memory_space<vmem>>[vector<16xi32>, vector<16xi32>], vector<16xf32>,
        %swap3A_238 = arith.index_cast %scan3A_222 : i32 to index
        %swap3A_239 = arith.constant 32 : index
        %swap3A_240 = tpu.vector_load %arg10[%swap3A_238, %swap3A_239] {strides = array<i32>} : memref<50x128xf32, #tpu.memory_space<vmem>>, vector<16xf32>,
        tpu.vector_store %arg10[%swap3A_238, %swap3A_239], %gather3A_237 {strides = array<i32>} : memref<50x128xf32, #tpu.memory_space<vmem>>, vector<16xf32>,
        %get3A_241 = arith.index_cast %scan3A_222 : i32 to index
        %get3A_242 = arith.constant 48 : index
        %get3A_243 = tpu.vector_load %arg8[%get3A_241, %get3A_242] {strides = array<i32>} : memref<50x128xi32, #tpu.memory_space<vmem>>, vector<16xi32>,
        %gather3A_244 = tpu.vector_load_idx %arg6[%get3A_243, %add3A_14] : memref<200x128xf32, #tpu.memory_space<vmem>>[vector<16xi32>, vector<16xi32>], vector<16xf32>,
        %swap3A_245 = arith.index_cast %scan3A_222 : i32 to index
        %swap3A_246 = arith.constant 48 : index
        %swap3A_247 = tpu.vector_load %arg10[%swap3A_245, %swap3A_246] {strides = array<i32>} : memref<50x128xf32, #tpu.memory_space<vmem>>, vector<16xf32>,
        tpu.vector_store %arg10[%swap3A_245, %swap3A_246], %gather3A_244 {strides = array<i32>} : memref<50x128xf32, #tpu.memory_space<vmem>>, vector<16xf32>,
        %get3A_248 = arith.index_cast %scan3A_222 : i32 to index
        %get3A_249 = arith.constant 64 : index
        %get3A_250 = tpu.vector_load %arg8[%get3A_248, %get3A_249] {strides = array<i32>} : memref<50x128xi32, #tpu.memory_space<vmem>>, vector<16xi32>,
        %gather3A_251 = tpu.vector_load_idx %arg6[%get3A_250, %add3A_17] : memref<200x128xf32, #tpu.memory_space<vmem>>[vector<16xi32>, vector<16xi32>], vector<16xf32>,
        %swap3A_252 = arith.index_cast %scan3A_222 : i32 to index
        %swap3A_253 = arith.constant 64 : index
        %swap3A_254 = tpu.vector_load %arg10[%swap3A_252, %swap3A_253] {strides = array<i32>} : memref<50x128xf32, #tpu.memory_space<vmem>>, vector<16xf32>,
        tpu.vector_store %arg10[%swap3A_252, %swap3A_253], %gather3A_251 {strides = array<i32>} : memref<50x128xf32, #tpu.memory_space<vmem>>, vector<16xf32>,
        %get3A_255 = arith.index_cast %scan3A_222 : i32 to index
        %get3A_256 = arith.constant 80 : index
        %get3A_257 = tpu.vector_load %arg8[%get3A_255, %get3A_256] {strides = array<i32>} : memref<50x128xi32, #tpu.memory_space<vmem>>, vector<16xi32>,
        %gather3A_258 = tpu.vector_load_idx %arg6[%get3A_257, %add3A_20] : memref<200x128xf32, #tpu.memory_space<vmem>>[vector<16xi32>, vector<16xi32>], vector<16xf32>,
        %swap3A_259 = arith.index_cast %scan3A_222 : i32 to index
        %swap3A_260 = arith.constant 80 : index
        %swap3A_261 = tpu.vector_load %arg10[%swap3A_259, %swap3A_260] {strides = array<i32>} : memref<50x128xf32, #tpu.memory_space<vmem>>, vector<16xf32>,
        tpu.vector_store %arg10[%swap3A_259, %swap3A_260], %gather3A_258 {strides = array<i32>} : memref<50x128xf32, #tpu.memory_space<vmem>>, vector<16xf32>,
        %get3A_262 = arith.index_cast %scan3A_222 : i32 to index
        %get3A_263 = arith.constant 96 : index
        %get3A_264 = tpu.vector_load %arg8[%get3A_262, %get3A_263] {strides = array<i32>} : memref<50x128xi32, #tpu.memory_space<vmem>>, vector<16xi32>,
        %gather3A_265 = tpu.vector_load_idx %arg6[%get3A_264, %add3A_23] : memref<200x128xf32, #tpu.memory_space<vmem>>[vector<16xi32>, vector<16xi32>], vector<16xf32>,
        %swap3A_266 = arith.index_cast %scan3A_222 : i32 to index
        %swap3A_267 = arith.constant 96 : index
        %swap3A_268 = tpu.vector_load %arg10[%swap3A_266, %swap3A_267] {strides = array<i32>} : memref<50x128xf32, #tpu.memory_space<vmem>>, vector<16xf32>,
        tpu.vector_store %arg10[%swap3A_266, %swap3A_267], %gather3A_265 {strides = array<i32>} : memref<50x128xf32, #tpu.memory_space<vmem>>, vector<16xf32>,
        %get3A_269 = arith.index_cast %scan3A_222 : i32 to index
        %get3A_270 = arith.constant 112 : index
        %get3A_271 = tpu.vector_load %arg8[%get3A_269, %get3A_270] {strides = array<i32>} : memref<50x128xi32, #tpu.memory_space<vmem>>, vector<16xi32>,
        %gather3A_272 = tpu.vector_load_idx %arg6[%get3A_271, %add3A_26] : memref<200x128xf32, #tpu.memory_space<vmem>>[vector<16xi32>, vector<16xi32>], vector<16xf32>,
        %swap3A_273 = arith.index_cast %scan3A_222 : i32 to index
        %swap3A_274 = arith.constant 112 : index
        %swap3A_275 = tpu.vector_load %arg10[%swap3A_273, %swap3A_274] {strides = array<i32>} : memref<50x128xf32, #tpu.memory_space<vmem>>, vector<16xf32>,
        tpu.vector_store %arg10[%swap3A_273, %swap3A_274], %gather3A_272 {strides = array<i32>} : memref<50x128xf32, #tpu.memory_space<vmem>>, vector<16xf32>,
      }
      %scan3A_213 = arith.constant 50 : i32
      %dma_start3A_214 = arith.constant 0 : i32
      %dma_start3A_215 = arith.constant 0 : i32
      %dma_start3A_216 = tpu.memref_slice %arg4[%dma_start3A_214, %add3A_157, %dma_start3A_215] : memref<50x1024x128xf32, #tpu.memory_space<hbm>> -> memref<50x1x128xf32, #tpu.memory_space<hbm>>
      %dma_start3A_217 = tpu.memref_squeeze %dma_start3A_216 : memref<50x1x128xf32, #tpu.memory_space<hbm>> -> memref<50x128xf32, #tpu.memory_space<hbm>>
      %dma_start3A_218 = arith.constant 0 : i32
      %dma_start3A_219 = arith.constant 0 : i32
      %dma_start3A_220 = tpu.memref_slice %arg4[%dma_start3A_218, %add3A_157, %dma_start3A_219] : memref<50x1024x128xf32, #tpu.memory_space<hbm>> -> memref<50x1x128xf32, #tpu.memory_space<hbm>>
      %dma_start3A_221 = tpu.memref_squeeze %dma_start3A_220 : memref<50x1x128xf32, #tpu.memory_space<hbm>> -> memref<50x128xf32, #tpu.memory_space<hbm>>
      tpu.enqueue_dma source(%arg10 : memref<50x128xf32, #tpu.memory_space<vmem>>) target(%dma_start3A_221 : memref<50x128xf32, #tpu.memory_space<hbm>>) target_semaphore(%arg18 : memref<!tpu.dma_semaphore, #tpu.memory_space<semaphore_mem>>)
    }
    %scan3A_66 = arith.constant 16 : i32
    %add3A_67 = arith.constant 32 : i32
    %add3A_68 = arith.addi %mul3A_2, %add3A_67 : i32
    %sub3A = arith.constant 2 : i32
    %sub3A_69 = arith.subi %add3A_68, %sub3A : i32
    %dma_wait3A = arith.constant 0 : i32
    %dma_wait3A_70 = arith.constant 0 : i32
    %dma_wait3A_71 = tpu.memref_slice %arg4[%dma_wait3A, %sub3A_69, %dma_wait3A_70] : memref<50x1024x128xf32, #tpu.memory_space<hbm>> -> memref<50x1x128xf32, #tpu.memory_space<hbm>>
    %dma_wait3A_72 = tpu.memref_squeeze %dma_wait3A_71 : memref<50x1x128xf32, #tpu.memory_space<hbm>> -> memref<50x128xf32, #tpu.memory_space<hbm>>
    %dma_wait3A_73 = arith.constant 0 : i32
    %dma_wait3A_74 = arith.constant 0 : i32
    %dma_wait3A_75 = tpu.memref_slice %arg4[%dma_wait3A_73, %sub3A_69, %dma_wait3A_74] : memref<50x1024x128xf32, #tpu.memory_space<hbm>> -> memref<50x1x128xf32, #tpu.memory_space<hbm>>
    %dma_wait3A_76 = tpu.memref_squeeze %dma_wait3A_75 : memref<50x1x128xf32, #tpu.memory_space<hbm>> -> memref<50x128xf32, #tpu.memory_space<hbm>>
    tpu.wait_dma2 semaphore(%arg17 : memref<!tpu.dma_semaphore, #tpu.memory_space<semaphore_mem>>) src(%arg9 : memref<50x128xf32, #tpu.memory_space<vmem>>) dst(%dma_wait3A_76 : memref<50x128xf32, #tpu.memory_space<hbm>>)
    %add3A_77 = arith.constant 32 : i32
    %add3A_78 = arith.addi %mul3A_2, %add3A_77 : i32
    %sub3A_79 = arith.constant 1 : i32
    %sub3A_80 = arith.subi %add3A_78, %sub3A_79 : i32
    %dma_wait3A_81 = arith.constant 0 : i32
    %dma_wait3A_82 = arith.constant 0 : i32
    %dma_wait3A_83 = tpu.memref_slice %arg4[%dma_wait3A_81, %sub3A_80, %dma_wait3A_82] : memref<50x1024x128xf32, #tpu.memory_space<hbm>> -> memref<50x1x128xf32, #tpu.memory_space<hbm>>
    %dma_wait3A_84 = tpu.memref_squeeze %dma_wait3A_83 : memref<50x1x128xf32, #tpu.memory_space<hbm>> -> memref<50x128xf32, #tpu.memory_space<hbm>>
    %dma_wait3A_85 = arith.constant 0 : i32
    %dma_wait3A_86 = arith.constant 0 : i32
    %dma_wait3A_87 = tpu.memref_slice %arg4[%dma_wait3A_85, %sub3A_80, %dma_wait3A_86] : memref<50x1024x128xf32, #tpu.memory_space<hbm>> -> memref<50x1x128xf32, #tpu.memory_space<hbm>>
    %dma_wait3A_88 = tpu.memref_squeeze %dma_wait3A_87 : memref<50x1x128xf32, #tpu.memory_space<hbm>> -> memref<50x128xf32, #tpu.memory_space<hbm>>
    tpu.wait_dma2 semaphore(%arg18 : memref<!tpu.dma_semaphore, #tpu.memory_space<semaphore_mem>>) src(%arg10 : memref<50x128xf32, #tpu.memory_space<vmem>>) dst(%dma_wait3A_88 : memref<50x128xf32, #tpu.memory_space<hbm>>)
    return
  }
}

</mosaic_0001>

<sc_bundles>
// kernel: kernel.3.cloned.1.call-start
scs
__scs_entry_jumppad:
0x0: {  	(pc) =	sbr.rel $0x88, $3  }
0x1: {  	(tag) =	ssettag $0x0;
	lr =	simm.s32 $0x1  }
0x2: {  	[smem:$0x3F9F] =	sst lr;
	_ =	strace $0xD0000000  }
0x3: {  	_ = 	snop  }
0x4: {  	_ = 	snop  }
0x5: {  	_ = 	snop  }
0x6: {  	_ = 	snop  }
0x7: {  	_ = 	snop  }
__scs_overlays_trampoline_lowered:
0x8: {  	[smem:$0x3FAE] =	sst s0  }
0x9: {  	[smem:$0x3FAF] =	sst s1  }
0xa: {  	[smem:$0x3FB0] =	sst s2  }
0xb: {  	[smem:$0x3FB1] =	sst s3  }
0xc: {  	[smem:$0x3FB2] =	sst s4  }
0xd: {  	[smem:$0x3FB3] =	sst s5  }
0xe: {  	[smem:$0x3FB4] =	sst s6  }
0xf: {  	[smem:$0x3FB5] =	sst s7  }
0x10: {  	[smem:$0x3FB6] =	sst s8  }
0x11: {  	[smem:$0x3FB7] =	sst s9;
	s0 =	simm.s32 @!p0 $0x0  }
0x12: {  	s1 =	sld [smem:$0x3F9D];
	s0 =	simm.s32 @p0 $0x1  }
0x13: {  	[smem:$0x3FB8] =	sst s0;
	s0 =	simm.s32 @!p1 $0x0  }
0x14: {  	s2 =	sld [smem:$0x3F9C];
	s0 =	simm.s32 @p1 $0x1  }
0x15: {  	[smem:$0x3FB9] =	sst s0;
	s0 =	simm.s32 @!p2 $0x0  }
0x16: {  	s3 =	sld [smem:$0x3FDB];
	s0 =	simm.s32 @p2 $0x1  }
0x17: {  	s4 =	simm.s32 $0x1BF5;
	[smem:$0x3FBB] =	sst s0  }
0x18: {  	s0 =	sld [smem:$0x3F9E];
	_ =	swait.ge [sflag:s4], $0x0  }
0x19: {  	s7 =	sld [smem:$0x3F9F]  }
0x1a: {  	s8 =	sadd.s32 $0xFFFFE003, lr  }
0x1b: {  	s9 =	sadd.s32 $0xFFFFFEF7, lr;
	s5 =	simm.s32 $0xFFFFFFFF;
	p2 =	slt.u32 s8, $0xFFFFF086  }
0x1c: {  	p1 =	slt.u32 s9, $0xF7A;
	s5 =	simm.s32 @!p2 $0x0  }
0x1d: {  	s5 =	simm.s32 @p1 $0x1;
	p0 =	seq.s32 s7, s2  }
0x1e: {  	s7 =	smul.u32 @!p0 $0xF7A, s2;
	p2 =	seq.s32 @!p0 s5, $0x0  }
0x1f: {  	s9 =	smul.u32 $0xF7A, s1;
	s8 =	simm.s32 @!p0 $0x1BF5;
	p2 =	por !p2, p0  }
0x20: {  	[sflag:s8] =	ssyncset.s32 @!p0 $0xFFFFF086;
	s6 =	sadd.s32 @!p0 s3, s7;
	s7 =	simm.s32 @!p0 $0x108  }
0x21: {  	s3 =	sadd.s32 s3, s9;
	s6 =	sadd.s32 @!p0 $0x88, s6;
	s7 =	simm.s32 @p2 $0x1082  }
0x22: {  	[simem:s7], [sflag:s8] =	dma.local @!p0 [hbm:s6], $0xF7A  }
0x23: {  	s9 =	sor.u32 $0xD0000000, s2;
	s6 =	simm.s32 $0x108;
	_ =	swait.ge @!p0 [sflag:s8], $0x0  }
0x24: {  	s3 =	sadd.s32 $0x88, s3;
	s6 =	simm.s32 @!p1 $0x1082;
	[sflag:s4] =	ssyncset.s32 $0xFFFFF086  }
0x25: {  	[simem:s6], [sflag:s4] =	dma.local [hbm:s3], $0xF7A  }
0x26: {  	[smem:$0x3F9F] =	sst s1;
	(tag) =	ssettag s2;
	_ =	strace s9  }
0x27: {  	s1 =	sld [smem:$0x3FAF]  }
0x28: {  	s2 =	sld [smem:$0x3FB0]  }
0x29: {  	s4 =	sld [smem:$0x3FB2]  }
0x2a: {  	p0 =	seq.s32 s5, $0x0;
	s5 =	sld [smem:$0x3FB3]  }
0x2b: {  	s6 =	sld [smem:$0x3FB4]  }
0x2c: {  	s7 =	sld [smem:$0x3FB5]  }
0x2d: {  	s3 =	simm.s32 $0x108;
	s8 =	sld [smem:$0x3FB6]  }
0x2e: {  	s3 =	simm.s32 @!p0 $0x1082;
	s9 =	sld [smem:$0x3FB7]  }
0x2f: {  	lr =	sadd.s32 s0, s3;
	s0 =	sld [smem:$0x3FAE]  }
0x30: {  	s3 =	sld [smem:$0x3FB1]  }
0x31: {  	[smem:$0x3FBA] =	sst s10  }
0x32: {  	s10 =	sld [smem:$0x3FB8];
	_ =	sdelay $0x3  }
0x33: {  	p0 =	seq.s32 s10, $0x1;
	s10 =	sld [smem:$0x3FBA];
	_ =	sdelay $0x3  }
0x34: {  	[smem:$0x3FBA] =	sst s10  }
0x35: {  	s10 =	sld [smem:$0x3FB9];
	_ =	sdelay $0x3  }
0x36: {  	p1 =	seq.s32 s10, $0x1;
	s10 =	sld [smem:$0x3FBA];
	_ =	sdelay $0x3  }
0x37: {  	[smem:$0x3FBA] =	sst s10  }
0x38: {  	s10 =	sld [smem:$0x3FBB]  }
0x39: {  	_ = 	snop;
	(pc) =	sbr.ind lr, $3  }
0x3a: {  	_ = 	snop  }
0x3b: {  	_ = 	snop  }
0x3c: {  	p2 =	seq.s32 s10, $0x1;
	s10 =	sld [smem:$0x3FBA]  }
0x3d: {  	_ =	shalt  }
0x3e: {  	_ =	shalt  }
0x3f: {  	_ =	shalt  }
0x40: {  	_ =	shalt  }
0x41: {  	_ =	shalt  }
0x42: {  	_ =	shalt  }
0x43: {  	_ =	shalt  }
0x44: {  	_ =	shalt  }
0x45: {  	_ =	shalt  }
0x46: {  	_ =	shalt  }
0x47: {  	_ =	shalt  }
0x48: {  	_ =	shalt  }
0x49: {  	_ =	shalt  }
0x4a: {  	_ =	shalt  }
0x4b: {  	_ =	shalt  }
0x4c: {  	_ =	shalt  }
0x4d: {  	_ =	shalt  }
0x4e: {  	_ =	shalt  }
0x4f: {  	_ =	shalt  }
0x50: {  	_ =	shalt  }
0x51: {  	_ =	shalt  }
0x52: {  	_ =	shalt  }
0x53: {  	_ =	shalt  }
0x54: {  	_ =	shalt  }
0x55: {  	_ =	shalt  }
0x56: {  	_ =	shalt  }
0x57: {  	_ =	shalt  }
0x58: {  	_ =	shalt  }
0x59: {  	_ =	shalt  }
0x5a: {  	_ =	shalt  }
0x5b: {  	_ =	shalt  }
0x5c: {  	_ =	shalt  }
0x5d: {  	_ =	shalt  }
0x5e: {  	_ =	shalt  }
0x5f: {  	_ =	shalt  }
0x60: {  	_ =	shalt  }
0x61: {  	_ =	shalt  }
0x62: {  	_ =	shalt  }
0x63: {  	_ =	shalt  }
0x64: {  	_ =	shalt  }
0x65: {  	_ =	shalt  }
0x66: {  	_ =	shalt  }
0x67: {  	_ =	shalt  }
0x68: {  	_ =	shalt  }
0x69: {  	_ =	shalt  }
0x6a: {  	_ =	shalt  }
0x6b: {  	_ =	shalt  }
0x6c: {  	_ =	shalt  }
0x6d: {  	_ =	shalt  }
0x6e: {  	_ =	shalt  }
0x6f: {  	_ =	shalt  }
0x70: {  	_ =	shalt  }
0x71: {  	_ =	shalt  }
0x72: {  	_ =	shalt  }
0x73: {  	_ =	shalt  }
0x74: {  	_ =	shalt  }
0x75: {  	_ =	shalt  }
0x76: {  	_ =	shalt  }
0x77: {  	_ =	shalt  }
0x78: {  	_ =	shalt  }
0x79: {  	_ =	shalt  }
0x7a: {  	_ =	shalt  }
0x7b: {  	_ =	shalt  }
0x7c: {  	_ =	shalt  }
0x7d: {  	_ =	shalt  }
0x7e: {  	_ =	shalt  }
0x7f: {  	_ =	shalt  }
0x80: {  	_ =	shalt  }
0x81: {  	_ =	shalt  }
0x82: {  	_ =	shalt  }
0x83: {  	_ =	shalt  }
0x84: {  	_ =	shalt  }
0x85: {  	_ =	shalt  }
0x86: {  	_ =	shalt  }
0x87: {  	_ =	shalt  }
.Lfunc_end0:
.L_simem_size_0:
called_computation_lowered:
.L_overlay_start_0:
0x88: {  	s2 =	sld [smem:$0x3FD9]  }
0x89: {  	s3 =	sld [smem:$0x3FFE];
	_ =	sdelay $0x1  }
0x8a: {  	s1 =	srdreg.scid  }
0x8b: {  	s0 =	sand.u32 $0x1, s1  }
0x8c: {  	s18 =	sshll.u32 s0, $0xA;
	s2 =	sadd.s32 s3, s2  }
0x8d: {  	s2 =	sadd.s32 s2, s18  }
0x8e: {  	[smem:$0x3FC6] =	sst s2  }
0x8f: {  	_ = 	snop  }
0x90: {  	s2 =	sld [smem:$0x3FC9]  }
0x91: {  	s19 =	sld [smem:$0x3FC8]  }
0x92: {  	s4 =	sld [smem:$0x3FD0];
	(tm) =	ssettm $0x1  }
0x93: {  	s5 =	sld [smem:$0x3FFB];
	_ =	sdelay $0x3  }
0x94: {  	_ =	strace s5  }
0x95: {  	s5 =	sld [smem:$0x3FFC];
	_ =	sdelay $0x3  }
0x96: {  	_ =	strace s5  }
0x97: {  	s5 =	sld [smem:$0x3FFD];
	_ =	sdelay $0x3  }
0x98: {  	_ =	strace s5  }
0x99: {  	_ =	strace $0x8FFFFFFF  }
0x9a: {  	s20 =	sld [smem:$0x3FDB];
	_ =	sdelay $0x1  }
0x9b: {  	s6 =	simm.s32 $_scs_section_size  }
0x9c: {  	s7 =	simm.s32 $_size__tile_overlayer_lowered;
	s8 =	simm.s32 $_tile_overlayer_lowered  }
0x9d: {  	s23 =	simm.s32 $0x1BFF;
	s22 =	sshll.u32 s8, $0x1;
	s5 =	sadd.s32 s6, s20  }
0x9e: {  	s9 =	simm.s32 $0x0;
	s21 =	sshll.u32 s7, $0x1;
	s7 =	sadd.s32 s22, s5  }
0x9f: {  	[timem:s9], [sflag:s23] =	dma.local [hbm:s7], s21  }
0xa0: {  	_ =	swait.ge [sflag:s23], s21  }
0xa1: {  	s6 =	ssub.s32 $0x0, s21;
	[sflag:s23] =	ssyncset.done $0x0  }
0xa2: {  	[sflag:s23] =	ssyncadd.s32 s6;
	_ =	sdelay $0x1  }
0xa3: {  	s24 =	simm.s32 $0x1B8B  }
0xa4: {  	_ =	swait.ge [sflag:s24], $0x1  }
0xa5: {  	[sflag:s24] =	ssyncset.done $0x0  }
0xa6: {  	s25 =	simm.s32 $0x1B8E;
	[sflag:s24] =	ssyncadd.s32 $0xFFFFFFFF  }
0xa7: {  	s26 =	simm.s32 $execute0_lowered;
	[smem:$0x3FD2] =	sst s25  }
0xa8: {  	s6 =	sshll.u32 s26, $0x1;
	_ =	strace $0x80000046;
	[dreg:$0x1] =	wrdreg $0xFFFFFFFF  }
0xa9: {  	s28 =	simm.s32 $_size_execute0_lowered;
	s5 =	sadd.s32 s5, s6;
	[dreg:$0x0] =	wrdreg $0x0  }
0xaa: {  	s6 =	sshll.u32 s28, $0x1;
	[dreg:$0x2] =	wrdreg s5  }
0xab: {  	[dreg:$0x3] =	wrdreg s6  }
0xac: {  	[dreg:$0x4] =	wrdreg $0xC0  }
0xad: {  	_ =	task [dreg:s9], $0x5FFFF  }
0xae: {  	[dreg:$0x1] =	wrdreg $0xFFFFFFFF  }
0xaf: {  	[dreg:$0x0] =	wrdreg $0x60  }
0xb0: {  	[dreg:$0x2] =	wrdreg s2  }
0xb1: {  	[dreg:$0x3] =	wrdreg s19  }
0xb2: {  	[dreg:$0x4] =	wrdreg s4  }
0xb3: {  	[dreg:$0x5] =	wrdreg $0x9  }
0xb4: {  	_ =	task.clear_ibuf [dreg:s9], $0x6FFFF;
	_ =	strace $0x90000046  }
0xb5: {  	s29 =	simm.s32 $0x9;
	_ =	strace $0x80000048  }
0xb6: {  	_ =	swait.ge [sflag:s29], $0x1  }
0xb7: {  	[sflag:s29] =	ssyncadd.s32 $0xFFFFFFFF  }
0xb8: {  	_ =	strace $0x90000048  }
0xb9: {  	_ =	sfence  }
0xba: {  	s30 =	sld [smem:$0x0];
	_ =	sdelay $0x2  }
0xbb: {  	s31 =	sshll.u32 s1, $0xD;
	s1 =	sshrl.u32 s1, $0x2  }
0xbc: {  	s3 =	sand.u32 $0x4000, s31;
	s1 =	sadd.s32 s1, s30  }
0xbd: {  	s0 =	sor.u32 s3, s0;
	s1 =	sshll.u32 s1, $0x11  }
0xbe: {  	s0 =	sor.u32 s1, s0  }
0xbf: {  	s0 =	sadd.s32 $0x8F2B, s0  }
0xc0: {  	[sflag:s0] =	ssyncadd.remote.s32 $0x1  }
0xc1: {  	_ =	sfence.sel $0xFFFF  }
0xc2: {  	[dreg:$0x0] =	wrdreg $0xFFFFFFFF;
	(pc) =	sbr.abs _section_cstart, $3  }
0xc3: {  	[dreg:$0x1] =	wrdreg $0xFFFFFFFF  }
0xc4: {  	_ =	task.clear_ibuf [dreg:s9], $0x2FFFF;
	_ =	strace $0x9FFFFFFF  }
0xc5: {  	(tm) =	ssettm $0x7FFFFFFF  }
tec
execute0_lowered:
.L_overlay_start_1:
0x0: {  	(tag) =	ssettag $0x1  }
0x1: {  	s1 =	rddreg [dreg:$0x0]  }
0x2: {  	s0 =	srdreg.scid;
	s3 =	rddreg [dreg:$0x1]  }
0x3: {  	s2 =	stileid.u32;
	s4 =	rddreg [dreg:$0x2];
	s5 =	simm.s32 $0x0  }
0x4: {  	s12 =	simm.s32 $0x80;
	s13 =	simm.s32 $0x20000;
	s15 =	simm.s32 $0x6400  }
0x5: {  	s16 =	simm.s32 $0x9400;
	s17 =	simm.s32 $0xE400;
	s18 =	simm.s32 $0x1  }
0x6: {  	s19 =	simm.s32 $0x3;
	s20 =	simm.s32 $0x5;
	s21 =	simm.s32 $0x10000  }
0x7: {  	s22 =	simm.s32 $0x2;
	s23 =	simm.s32 $0x4;
	s0 =	sand.u32 $0x1, s0  }
0x8: {  	s24 =	simm.s32 $0x6;
	s2 =	sshll.u32 s2, $0x6;
	s6 =	sshll.u32 s0, $0x5  }
0x9: {  	s25 =	simm.s32 $0x11C00;
	s26 =	simm.s32 $0x7;
	s6 =	sor.u32 s6, s2  }
0xa: {  	s28 =	simm.s32 $0x8;
	s0 =	ssub.s32 $0x2, s0;
	s2 =	smul.u32 $0xC80, s6  }
0xb: {  	v0 =	vlaneseq.u32;
	[smem:$0x7FF] =	sst s5;
	s7 =	sshrl.u32 s0, $0x1;
	s31 =	sshll.u32 s6, $0x4  }
0xc: {  	v1 =	vor.u32 $0x10, v0;
	s0 =	ssub.s32 s0, s7;
	s7 =	sadd.s32 s1, s2;
	s2 =	sadd.s32 s3, s31  }
0xd: {  	v2 =	vor.u32 $0x20, v0;
	v3 =	vor.u32 $0x30, v0;
	v4 =	vor.u32 $0x40, v0;
	_ =	strace $0x80000047;
	s8 =	sadd.s32 $0x600, s7;
	[dreg:$0x5] =	wrdreg s2  }
0xe: {  	s29 =	simm.s32 $0x0;
	v5 =	vor.u32 $0x50, v0;
	v6 =	vor.u32 $0x60, v0;
	v7 =	vor.u32 $0x70, v0;
	s10 =	smax.u32 s0, $0x1;
	[dreg:$0x4] =	wrdreg s8  }
.LBB2_1:
0xf: {  	[tilespmem:s5], [sflag:$0x1] =	stream.linear.gather [hbm4b:s7+s5], $0x3000, $0x38;
	[tilespmem:$0x13800] =	vst v63  }
0x10: {  	s0 =	rddreg [dreg:$0x4];
	s2 =	simm.s32 $0x3000  }
0x11: {  	[tilespmem:s2], [sflag:$0x3] =	stream.linear.gather [hbm4b:s0+s5], $0x3400, $0x38;
	[tilespmem:$0x13800] =	vst v63  }
0x12: {  	s14 =	rddreg [dreg:$0x5];
	s31 =	simm.s32 $0xC800;
	s30 =	simm.s32 $0x0  }
0x13: {  	[tilespmem:s31], [sflag:$0x5] =	stream.strided.gather [hbm4b:s14+s12], $0x1900, s13, s12, $0x38;
	[tilespmem:$0x13800] =	vst v63  }
.LBB2_2:
0x14: {  	s0 =	sshllo.u32 s30, $0x1  }
0x15: {  	s2 =	sor.u32 s6, s0  }
0x16: {  	s11 =	smul.u32 $0x6400, s2;
	_ =	sdelay $0x1  }
0x17: {  	s0 =	sshll.u32 s0, $0x4;
	s11 =	sshrl.u32 s11, $0x3  }
0x18: {  	s2 =	sshll.u32 s2, $0x4;
	s0 =	sand.u32 $0x70, s0;
	s11 =	sadd.s32 s1, s11  }
0x19: {  	[tilespmem:s15], [sflag:$0x2] =	stream.linear.gather [hbm4b:s11+s5], $0x3000, $0x38;
	[tilespmem:$0x13800] =	vst v63  }
0x1a: {  	s2 =	sand.u32 $0x3F80, s2;
	s0 =	sadd.s32 s3, s0;
	s11 =	sadd.s32 $0x600, s11  }
0x1b: {  	[tilespmem:s16], [sflag:$0x4] =	stream.linear.gather [hbm4b:s11+s5], $0x3400, $0x38;
	[tilespmem:$0x13800] =	vst v63  }
0x1c: {  	p0 =	seq.s32 s30, $0x0;
	s0 =	sadd.s32 s2, s0  }
0x1d: {  	[tilespmem:s17], [sflag:$0x6] =	stream.strided.gather [hbm4b:s0+s12], $0x1900, s13, s12, $0x38;
	[tilespmem:$0x13800] =	vst v63  }
0x1e: {  	s0 =	simm.s32 @!p0 $0x7  }
0x1f: {  	_ =	swait.ge @!p0 [sflag:s0], $0x1900  }
0x20: {  	[sflag:s0] =	ssyncset.done @!p0 $0x0  }
0x21: {  	[sflag:s0] =	ssyncadd.s32 @!p0 $0xFFFFE700  }
0x22: {  	_ =	swait.ge [sflag:s18], $0x3000  }
0x23: {  	[sflag:s18] =	ssyncset.done $0x0  }
0x24: {  	[sflag:s18] =	ssyncadd.s32 $0xFFFFD000  }
0x25: {  	_ =	swait.ge [sflag:s19], $0x3400  }
0x26: {  	[sflag:s19] =	ssyncset.done $0x0  }
0x27: {  	[sflag:s19] =	ssyncadd.s32 $0xFFFFCC00  }
0x28: {  	_ =	swait.ge [sflag:s20], $0x1900  }
0x29: {  	[sflag:s20] =	ssyncset.done $0x0  }
0x2a: {  	s0 =	simm.s32 $0x0;
	[sflag:s20] =	ssyncadd.s32 $0xFFFFE700  }
0x2b: {  	v8 =	vld [tilespmem:s0+$0xC800];
	_ =	sdelay $0x4  }
0x2c: {  	v8 =	vshll.u32 v8, $0x7  }
0x2d: {  	v9 =	vld [tilespmem:s0+$0xC810];
	v8 =	vor.u32 v0, v8;
	_ =	sdelay $0x4  }
0x2e: {  	v9 =	vshll.u32 v9, $0x7;
	v8 =	vld.idx.msk [tilespmem:v8+s5+$0x0], $0xffff  }
0x2f: {  	v10 =	vld [tilespmem:s0+$0xC820];
	v9 =	vor.u32 v1, v9;
	_ =	sdelay $0x3  }
0x30: {  	[tilespmem:s0+$0x10000] =	vst v8  }
0x31: {  	v8 =	vld.idx.msk [tilespmem:v9+s5+$0x0], $0xffff;
	v9 =	vshll.u32 v10, $0x7  }
0x32: {  	v10 =	vld [tilespmem:s0+$0xC830];
	v9 =	vor.u32 v2, v9;
	_ =	sdelay $0x3  }
0x33: {  	[tilespmem:s0+$0x10010] =	vst v8  }
0x34: {  	v8 =	vld.idx.msk [tilespmem:v9+s5+$0x0], $0xffff;
	v9 =	vshll.u32 v10, $0x7  }
0x35: {  	v10 =	vld [tilespmem:s0+$0xC840];
	v9 =	vor.u32 v3, v9;
	_ =	sdelay $0x3  }
0x36: {  	[tilespmem:s0+$0x10020] =	vst v8  }
0x37: {  	v8 =	vld.idx.msk [tilespmem:v9+s5+$0x0], $0xffff;
	v9 =	vshll.u32 v10, $0x7  }
0x38: {  	v10 =	vld [tilespmem:s0+$0xC850];
	v9 =	vor.u32 v4, v9;
	_ =	sdelay $0x3  }
0x39: {  	[tilespmem:s0+$0x10030] =	vst v8  }
0x3a: {  	v8 =	vld.idx.msk [tilespmem:v9+s5+$0x0], $0xffff;
	v9 =	vshll.u32 v10, $0x7  }
0x3b: {  	v10 =	vld [tilespmem:s0+$0xC860];
	v9 =	vor.u32 v5, v9;
	_ =	sdelay $0x3  }
0x3c: {  	[tilespmem:s0+$0x10040] =	vst v8  }
0x3d: {  	v8 =	vld.idx.msk [tilespmem:v9+s5+$0x0], $0xffff;
	v9 =	vshll.u32 v10, $0x7  }
0x3e: {  	v10 =	vld [tilespmem:s0+$0xC870];
	v9 =	vor.u32 v6, v9;
	_ =	sdelay $0x3  }
0x3f: {  	[tilespmem:s0+$0x10050] =	vst v8  }
0x40: {  	s2 =	sshll.u32 s30, $0x1;
	v10 =	vshll.u32 v10, $0x7;
	v8 =	vld.idx.msk [tilespmem:v9+s5+$0x0], $0xffff  }
0x41: {  	s14 =	simm.s32 $0x80;
	s31 =	sadd.s32 s6, s2;
	s11 =	simm.s32 $0x400;
	v9 =	vor.u32 v7, v10  }
.LBB2_3:
0x42: {  	p0 =	sne.s32 s11, $0x6200;
	v10 =	vld [tilespmem:s14+$0xC800];
	_ =	sdelay $0x2  }
0x43: {  	[tilespmem:s0+$0x10060] =	vst v8  }
0x44: {  	v8 =	vld.idx.msk [tilespmem:v9+s5+$0x0], $0xffff  }
0x45: {  	v9 =	vshll.u32 v10, $0x7  }
0x46: {  	v9 =	vor.u32 v0, v9  }
0x47: {  	v10 =	vld [tilespmem:s14+$0xC810];
	_ =	sdelay $0x2  }
0x48: {  	[tilespmem:s0+$0x10070] =	vst v8;
	s0 =	smov.u32 s14  }
0x49: {  	v8 =	vld.idx.msk [tilespmem:v9+s5+$0x0], $0xffff  }
0x4a: {  	v9 =	vshll.u32 v10, $0x7  }
0x4b: {  	v9 =	vor.u32 v1, v9  }
0x4c: {  	v10 =	vld [tilespmem:s0+$0xC820];
	_ =	sdelay $0x2  }
0x4d: {  	[tilespmem:s0+$0x10000] =	vst v8  }
0x4e: {  	v8 =	vld.idx.msk [tilespmem:v9+s5+$0x0], $0xffff  }
0x4f: {  	v9 =	vshll.u32 v10, $0x7  }
0x50: {  	v9 =	vor.u32 v2, v9  }
0x51: {  	v10 =	vld [tilespmem:s0+$0xC830];
	_ =	sdelay $0x2  }
0x52: {  	[tilespmem:s0+$0x10010] =	vst v8  }
0x53: {  	v8 =	vld.idx.msk [tilespmem:v9+s5+$0x0], $0xffff  }
0x54: {  	v9 =	vshll.u32 v10, $0x7  }
0x55: {  	v9 =	vor.u32 v3, v9  }
0x56: {  	v10 =	vld [tilespmem:s0+$0xC840];
	_ =	sdelay $0x2  }
0x57: {  	[tilespmem:s0+$0x10020] =	vst v8  }
0x58: {  	v8 =	vld.idx.msk [tilespmem:v9+s5+$0x0], $0xffff  }
0x59: {  	v9 =	vshll.u32 v10, $0x7  }
0x5a: {  	v9 =	vor.u32 v4, v9  }
0x5b: {  	v10 =	vld [tilespmem:s0+$0xC850];
	_ =	sdelay $0x2  }
0x5c: {  	[tilespmem:s0+$0x10030] =	vst v8  }
0x5d: {  	v8 =	vld.idx.msk [tilespmem:v9+s5+$0x0], $0xffff  }
0x5e: {  	v9 =	vshll.u32 v10, $0x7  }
0x5f: {  	v9 =	vor.u32 v5, v9  }
0x60: {  	v10 =	vld [tilespmem:s0+$0xC860];
	_ =	sdelay $0x2  }
0x61: {  	[tilespmem:s0+$0x10040] =	vst v8  }
0x62: {  	v8 =	vld.idx.msk [tilespmem:v9+s5+$0x0], $0xffff  }
0x63: {  	v9 =	vshll.u32 v10, $0x7  }
0x64: {  	v9 =	vor.u32 v6, v9  }
0x65: {  	v10 =	vld [tilespmem:s0+$0xC870];
	_ =	sdelay $0x1  }
.Ltmp0:
0x66: {  	(pc) =	sbr.rel @p0 .LBB2_3-.Ltmp0, $4  }
0x67: {  	[tilespmem:s0+$0x10050] =	vst v8  }
0x68: {  	v8 =	vld.idx.msk [tilespmem:v9+s5+$0x0], $0xffff  }
0x69: {  	v9 =	vshll.u32 v10, $0x7  }
0x6a: {  	s14 =	sshra.s32 s11, $0x2;
	s11 =	sadd.s32 $0x200, s11;
	v9 =	vor.u32 v7, v9  }
0x6b: {  	v10 =	vld [tilespmem:s14+$0xC800];
	_ =	sdelay $0x3  }
0x6c: {  	[tilespmem:s0+$0x10060] =	vst v8  }
0x6d: {  	v8 =	vld.idx.msk [tilespmem:v9+s5+$0x0], $0xffff;
	v9 =	vshll.u32 v10, $0x7  }
0x6e: {  	v10 =	vld [tilespmem:s14+$0xC810];
	v9 =	vor.u32 v0, v9;
	_ =	sdelay $0x3  }
0x6f: {  	[tilespmem:s0+$0x10070] =	vst v8  }
0x70: {  	v8 =	vld.idx.msk [tilespmem:v9+s5+$0x0], $0xffff;
	v9 =	vshll.u32 v10, $0x7  }
0x71: {  	v10 =	vld [tilespmem:s14+$0xC820];
	v9 =	vor.u32 v1, v9;
	_ =	sdelay $0x3  }
0x72: {  	[tilespmem:s14+$0x10000] =	vst v8  }
0x73: {  	v8 =	vld.idx.msk [tilespmem:v9+s5+$0x0], $0xffff;
	v9 =	vshll.u32 v10, $0x7  }
0x74: {  	v10 =	vld [tilespmem:s14+$0xC830];
	v9 =	vor.u32 v2, v9;
	_ =	sdelay $0x3  }
0x75: {  	[tilespmem:s14+$0x10010] =	vst v8  }
0x76: {  	v8 =	vld.idx.msk [tilespmem:v9+s5+$0x0], $0xffff;
	v9 =	vshll.u32 v10, $0x7  }
0x77: {  	v10 =	vld [tilespmem:s14+$0xC840];
	v9 =	vor.u32 v3, v9;
	_ =	sdelay $0x3  }
0x78: {  	[tilespmem:s14+$0x10020] =	vst v8  }
0x79: {  	v8 =	vld.idx.msk [tilespmem:v9+s5+$0x0], $0xffff;
	v9 =	vshll.u32 v10, $0x7  }
0x7a: {  	v10 =	vld [tilespmem:s14+$0xC850];
	v9 =	vor.u32 v4, v9;
	_ =	sdelay $0x3  }
0x7b: {  	[tilespmem:s14+$0x10030] =	vst v8  }
0x7c: {  	v8 =	vld.idx.msk [tilespmem:v9+s5+$0x0], $0xffff;
	v9 =	vshll.u32 v10, $0x7  }
0x7d: {  	v10 =	vld [tilespmem:s14+$0xC860];
	v9 =	vor.u32 v5, v9;
	_ =	sdelay $0x3  }
0x7e: {  	[tilespmem:s14+$0x10040] =	vst v8  }
0x7f: {  	v8 =	vld.idx.msk [tilespmem:v9+s5+$0x0], $0xffff;
	v9 =	vshll.u32 v10, $0x7  }
0x80: {  	v10 =	vld [tilespmem:s14+$0xC870];
	v9 =	vor.u32 v6, v9;
	_ =	sdelay $0x3  }
0x81: {  	[tilespmem:s14+$0x10050] =	vst v8  }
0x82: {  	v8 =	vld.idx.msk [tilespmem:v9+s5+$0x0], $0xffff;
	v9 =	vshll.u32 v10, $0x7  }
0x83: {  	v9 =	vor.u32 v7, v9;
	_ =	sdelay $0x3  }
0x84: {  	[tilespmem:s14+$0x10060] =	vst v8  }
0x85: {  	v8 =	vld.idx.msk [tilespmem:v9+s5+$0x0], $0xffff  }
0x86: {  	s8 =	sshll.u32 s30, $0x5  }
0x87: {  	p0 =	seq.s32 s30, $0xF;
	s11 =	sshll.u32 s31, $0x4;
	s31 =	sand.u32 $0x60, s8  }
0x88: {  	p1 =	seq.s32 @!p0 s30, $0x0;
	s9 =	sadd.s32 s4, s31;
	s0 =	sadd.s32 @!p0 $0x2, s2  }
0x89: {  	s2 =	sand.u32 $0x3F80, s11;
	s8 =	sadd.s32 @!p0 s6, s0;
	s0 =	sshll.u32 @!p0 s0, $0x4  }
0x8a: {  	s11 =	sadd.s32 s2, s9;
	s0 =	sand.u32 @!p0 $0x60, s0;
	[tilespmem:s14+$0x10070] =	vst v8;
	s14 =	smul.u32 @!p0 $0x6400, s8  }
0x8b: {  	[hbm4b:s11+s12] =	stream.strided.scatter [tilespmem:s21], [sflag:$0x7], $0x1900, s13, s12, $0x38;
	[tilespmem:$0x13800] =	vst v63  }
0x8c: {  	s0 =	sadd.s32 @!p0 s3, s0;
	s8 =	sshll.u32 @!p0 s8, $0x4;
	s11 =	sshrl.u32 @!p0 s14, $0x3  }
0x8d: {  	s8 =	sand.u32 @!p0 $0x7F80, s8;
	s14 =	simm.s32 @!p0 $0x0;
	s11 =	sadd.s32 @!p0 s1, s11  }
0x8e: {  	[tilespmem:s14], [sflag:$0x1] =	stream.linear.gather @!p0 [hbm4b:s11+s14], $0x3000, $0x38;
	[tilespmem:$0x13800] =	vst v63  }
0x8f: {  	s9 =	simm.s32 @!p0 $0x3000;
	s0 =	sadd.s32 @!p0 s8, s0;
	s11 =	sadd.s32 @!p0 $0x600, s11  }
0x90: {  	[tilespmem:s9], [sflag:$0x3] =	stream.linear.gather @!p0 [hbm4b:s11+s14], $0x3400, $0x38;
	[tilespmem:$0x13800] =	vst v63  }
0x91: {  	s8 =	simm.s32 @!p0 $0x80;
	s9 =	simm.s32 @!p0 $0x20000;
	s11 =	simm.s32 @!p0 $0xC800  }
0x92: {  	[tilespmem:s11], [sflag:$0x5] =	stream.strided.gather @!p0 [hbm4b:s0+s8], $0x1900, s9, s8, $0x38;
	[tilespmem:$0x13800] =	vst v63  }
0x93: {  	p0 =	por p0, !p1  }
0x94: {  	_ =	swait.ge @p0 [sflag:s28], $0x1900  }
0x95: {  	[sflag:s28] =	ssyncset.done @p0 $0x0  }
0x96: {  	[sflag:s28] =	ssyncadd.s32 @p0 $0xFFFFE700  }
0x97: {  	_ =	swait.ge [sflag:s22], $0x3000  }
0x98: {  	[sflag:s22] =	ssyncset.done $0x0  }
0x99: {  	[sflag:s22] =	ssyncadd.s32 $0xFFFFD000  }
0x9a: {  	_ =	swait.ge [sflag:s23], $0x3400  }
0x9b: {  	[sflag:s23] =	ssyncset.done $0x0  }
0x9c: {  	[sflag:s23] =	ssyncadd.s32 $0xFFFFCC00  }
0x9d: {  	_ =	swait.ge [sflag:s24], $0x1900  }
0x9e: {  	[sflag:s24] =	ssyncset.done $0x0  }
0x9f: {  	s0 =	simm.s32 $0x0;
	[sflag:s24] =	ssyncadd.s32 $0xFFFFE700  }
0xa0: {  	v8 =	vld [tilespmem:s0+$0xE400];
	_ =	sdelay $0x4  }
0xa1: {  	v8 =	vshll.u32 v8, $0x7  }
0xa2: {  	v9 =	vld [tilespmem:s0+$0xE410];
	v8 =	vor.u32 v0, v8;
	_ =	sdelay $0x4  }
0xa3: {  	v9 =	vshll.u32 v9, $0x7;
	v8 =	vld.idx.msk [tilespmem:v8+s15+$0x0], $0xffff  }
0xa4: {  	v10 =	vld [tilespmem:s0+$0xE420];
	v9 =	vor.u32 v1, v9;
	_ =	sdelay $0x3  }
0xa5: {  	[tilespmem:s0+$0x11C00] =	vst v8  }
0xa6: {  	v8 =	vld.idx.msk [tilespmem:v9+s15+$0x0], $0xffff;
	v9 =	vshll.u32 v10, $0x7  }
0xa7: {  	v10 =	vld [tilespmem:s0+$0xE430];
	v9 =	vor.u32 v2, v9;
	_ =	sdelay $0x3  }
0xa8: {  	[tilespmem:s0+$0x11C10] =	vst v8  }
0xa9: {  	v8 =	vld.idx.msk [tilespmem:v9+s15+$0x0], $0xffff;
	v9 =	vshll.u32 v10, $0x7  }
0xaa: {  	v10 =	vld [tilespmem:s0+$0xE440];
	v9 =	vor.u32 v3, v9;
	_ =	sdelay $0x3  }
0xab: {  	[tilespmem:s0+$0x11C20] =	vst v8  }
0xac: {  	v8 =	vld.idx.msk [tilespmem:v9+s15+$0x0], $0xffff;
	v9 =	vshll.u32 v10, $0x7  }
0xad: {  	v10 =	vld [tilespmem:s0+$0xE450];
	v9 =	vor.u32 v4, v9;
	_ =	sdelay $0x3  }
0xae: {  	[tilespmem:s0+$0x11C30] =	vst v8  }
0xaf: {  	v8 =	vld.idx.msk [tilespmem:v9+s15+$0x0], $0xffff;
	v9 =	vshll.u32 v10, $0x7  }
0xb0: {  	v10 =	vld [tilespmem:s0+$0xE460];
	v9 =	vor.u32 v5, v9;
	_ =	sdelay $0x3  }
0xb1: {  	[tilespmem:s0+$0x11C40] =	vst v8  }
0xb2: {  	v8 =	vld.idx.msk [tilespmem:v9+s15+$0x0], $0xffff;
	v9 =	vshll.u32 v10, $0x7  }
0xb3: {  	v10 =	vld [tilespmem:s0+$0xE470];
	v9 =	vor.u32 v6, v9;
	_ =	sdelay $0x3  }
0xb4: {  	[tilespmem:s0+$0x11C50] =	vst v8  }
0xb5: {  	v10 =	vshll.u32 v10, $0x7;
	v8 =	vld.idx.msk [tilespmem:v9+s15+$0x0], $0xffff  }
0xb6: {  	s14 =	simm.s32 $0x80;
	s11 =	simm.s32 $0x400;
	v9 =	vor.u32 v7, v10  }
.LBB2_5:
0xb7: {  	p0 =	sne.s32 s11, $0x6200;
	v10 =	vld [tilespmem:s14+$0xE400];
	_ =	sdelay $0x2  }
0xb8: {  	[tilespmem:s0+$0x11C60] =	vst v8  }
0xb9: {  	v8 =	vld.idx.msk [tilespmem:v9+s15+$0x0], $0xffff  }
0xba: {  	v9 =	vshll.u32 v10, $0x7  }
0xbb: {  	v9 =	vor.u32 v0, v9  }
0xbc: {  	v10 =	vld [tilespmem:s14+$0xE410];
	_ =	sdelay $0x2  }
0xbd: {  	[tilespmem:s0+$0x11C70] =	vst v8;
	s0 =	smov.u32 s14  }
0xbe: {  	v8 =	vld.idx.msk [tilespmem:v9+s15+$0x0], $0xffff  }
0xbf: {  	v9 =	vshll.u32 v10, $0x7  }
0xc0: {  	v9 =	vor.u32 v1, v9  }
0xc1: {  	v10 =	vld [tilespmem:s0+$0xE420];
	_ =	sdelay $0x2  }
0xc2: {  	[tilespmem:s0+$0x11C00] =	vst v8  }
0xc3: {  	v8 =	vld.idx.msk [tilespmem:v9+s15+$0x0], $0xffff  }
0xc4: {  	v9 =	vshll.u32 v10, $0x7  }
0xc5: {  	v9 =	vor.u32 v2, v9  }
0xc6: {  	v10 =	vld [tilespmem:s0+$0xE430];
	_ =	sdelay $0x2  }
0xc7: {  	[tilespmem:s0+$0x11C10] =	vst v8  }
0xc8: {  	v8 =	vld.idx.msk [tilespmem:v9+s15+$0x0], $0xffff  }
0xc9: {  	v9 =	vshll.u32 v10, $0x7  }
0xca: {  	v9 =	vor.u32 v3, v9  }
0xcb: {  	v10 =	vld [tilespmem:s0+$0xE440];
	_ =	sdelay $0x2  }
0xcc: {  	[tilespmem:s0+$0x11C20] =	vst v8  }
0xcd: {  	v8 =	vld.idx.msk [tilespmem:v9+s15+$0x0], $0xffff  }
0xce: {  	v9 =	vshll.u32 v10, $0x7  }
0xcf: {  	v9 =	vor.u32 v4, v9  }
0xd0: {  	v10 =	vld [tilespmem:s0+$0xE450];
	_ =	sdelay $0x2  }
0xd1: {  	[tilespmem:s0+$0x11C30] =	vst v8  }
0xd2: {  	v8 =	vld.idx.msk [tilespmem:v9+s15+$0x0], $0xffff  }
0xd3: {  	v9 =	vshll.u32 v10, $0x7  }
0xd4: {  	v9 =	vor.u32 v5, v9  }
0xd5: {  	v10 =	vld [tilespmem:s0+$0xE460];
	_ =	sdelay $0x2  }
0xd6: {  	[tilespmem:s0+$0x11C40] =	vst v8  }
0xd7: {  	v8 =	vld.idx.msk [tilespmem:v9+s15+$0x0], $0xffff  }
0xd8: {  	v9 =	vshll.u32 v10, $0x7  }
0xd9: {  	v9 =	vor.u32 v6, v9  }
0xda: {  	v10 =	vld [tilespmem:s0+$0xE470];
	_ =	sdelay $0x1  }
.Ltmp1:
0xdb: {  	(pc) =	sbr.rel @p0 .LBB2_5-.Ltmp1, $4  }
0xdc: {  	[tilespmem:s0+$0x11C50] =	vst v8  }
0xdd: {  	v8 =	vld.idx.msk [tilespmem:v9+s15+$0x0], $0xffff  }
0xde: {  	v9 =	vshll.u32 v10, $0x7  }
0xdf: {  	s14 =	sshra.s32 s11, $0x2;
	s11 =	sadd.s32 $0x200, s11;
	v9 =	vor.u32 v7, v9  }
0xe0: {  	v10 =	vld [tilespmem:s14+$0xE400];
	_ =	sdelay $0x3  }
0xe1: {  	[tilespmem:s0+$0x11C60] =	vst v8  }
0xe2: {  	v8 =	vld.idx.msk [tilespmem:v9+s15+$0x0], $0xffff;
	v49 =	vshll.u32 v10, $0x7  }
0xe3: {  	v50 =	vld [tilespmem:s14+$0xE410];
	v9 =	vor.u32 v0, v49;
	_ =	sdelay $0x3  }
0xe4: {  	[tilespmem:s0+$0x11C70] =	vst v8  }
0xe5: {  	v51 =	vshll.u32 v50, $0x7;
	v8 =	vld.idx.msk [tilespmem:v9+s15+$0x0], $0xffff  }
0xe6: {  	v52 =	vld [tilespmem:s14+$0xE420];
	v9 =	vor.u32 v1, v51;
	_ =	sdelay $0x3  }
0xe7: {  	[tilespmem:s14+$0x11C00] =	vst v8  }
0xe8: {  	v53 =	vshll.u32 v52, $0x7;
	v8 =	vld.idx.msk [tilespmem:v9+s15+$0x0], $0xffff  }
0xe9: {  	v54 =	vld [tilespmem:s14+$0xE430];
	v9 =	vor.u32 v2, v53;
	_ =	sdelay $0x3  }
0xea: {  	[tilespmem:s14+$0x11C10] =	vst v8  }
0xeb: {  	v55 =	vshll.u32 v54, $0x7;
	v8 =	vld.idx.msk [tilespmem:v9+s15+$0x0], $0xffff  }
0xec: {  	v56 =	vld [tilespmem:s14+$0xE440];
	v9 =	vor.u32 v3, v55;
	_ =	sdelay $0x3  }
0xed: {  	[tilespmem:s14+$0x11C20] =	vst v8  }
0xee: {  	v57 =	vshll.u32 v56, $0x7;
	v8 =	vld.idx.msk [tilespmem:v9+s15+$0x0], $0xffff  }
0xef: {  	v58 =	vld [tilespmem:s14+$0xE450];
	v9 =	vor.u32 v4, v57;
	_ =	sdelay $0x3  }
0xf0: {  	[tilespmem:s14+$0x11C30] =	vst v8  }
0xf1: {  	v59 =	vshll.u32 v58, $0x7;
	v8 =	vld.idx.msk [tilespmem:v9+s15+$0x0], $0xffff  }
0xf2: {  	v60 =	vld [tilespmem:s14+$0xE460];
	v9 =	vor.u32 v5, v59;
	_ =	sdelay $0x3  }
0xf3: {  	[tilespmem:s14+$0x11C40] =	vst v8  }
0xf4: {  	v61 =	vshll.u32 v60, $0x7;
	v8 =	vld.idx.msk [tilespmem:v9+s15+$0x0], $0xffff  }
0xf5: {  	v62 =	vld [tilespmem:s14+$0xE470];
	v9 =	vor.u32 v6, v61;
	_ =	sdelay $0x3  }
0xf6: {  	[tilespmem:s14+$0x11C50] =	vst v8  }
0xf7: {  	v63 =	vshll.u32 v62, $0x7;
	v8 =	vld.idx.msk [tilespmem:v9+s15+$0x0], $0xffff  }
0xf8: {  	v9 =	vor.u32 v7, v63;
	_ =	sdelay $0x3  }
0xf9: {  	[tilespmem:s14+$0x11C60] =	vst v8  }
0xfa: {  	s30 =	sadd.s32 $0x1, s30;
	v8 =	vld.idx.msk [tilespmem:v9+s15+$0x0], $0xffff  }
0xfb: {  	p0 =	sne.s32 s30, $0x10  }
.Ltmp2:
0xfc: {  	_ = 	snop;
	(pc) =	sbr.rel @p0 .LBB2_2-.Ltmp2, $4  }
0xfd: {  	s31 =	sadd.s32 s31, s4  }
0xfe: {  	s0 =	sadd.s32 s2, s31  }
0xff: {  	s0 =	sadd.s32 $0x10, s0;
	[tilespmem:s14+$0x11C70] =	vst v8  }
0x100: {  	[hbm4b:s0+s12] =	stream.strided.scatter [tilespmem:s25], [sflag:$0x8], $0x1900, s13, s12, $0x38;
	[tilespmem:$0x13800] =	vst v63  }
0x101: {  	s29 =	sadd.s32 $0x1, s29  }
0x102: {  	_ =	swait.ge [sflag:s26], $0x1900;
	p0 =	sne.s32 s29, s10  }
.Ltmp3:
0x103: {  	[sflag:s26] =	ssyncset.done $0x0;
	(pc) =	sbr.rel @p0 .LBB2_1-.Ltmp3, $4  }
0x104: {  	[sflag:s26] =	ssyncadd.s32 $0xFFFFE700  }
0x105: {  	_ =	swait.ge [sflag:s28], $0x1900  }
0x106: {  	[sflag:s28] =	ssyncset.done $0x0  }
0x107: {  	[sflag:s28] =	ssyncadd.s32 $0xFFFFE700  }
0x108: {  	_ =	sfence.sel $0x180000  }
0x109: {  	[bflag:$0x0] =	sbarrier.arrive $0xFFFF  }
0x10a: {  	_ =	strace $0x90000047  }
0x10b: {  	s0 =	stileid.u32;
	[bflag:$0x2] =	sbarrier.arrive $0xFFFF  }
0x10c: {  	p0 =	sne.s32 s0, $0x0;
	s0 =	rddreg [dreg:$0x3]  }
0x10d: {  	s0 =	sadd.s32 @!p0 $0x100000, s0  }
0x10e: {  	[sflag:s0] =	ssyncadd.tile.s32 @!p0 $0x1;
	_ =	shalt  }
.Lfunc_end2:
_tile_overlayer_lowered:
.L_overlay_start_2:
0x10f: {  	(tag) =	ssettag $0x2  }
0x110: {  	s0 =	rddreg [dreg:$0x0];
	s2 =	stileid.u32  }
0x111: {  	s1 =	rddreg [dreg:$0x1];
	p0 =	sne.s32 s2, $0x0  }
0x112: {  	s3 =	rddreg [dreg:$0x2];
	[bflag:$0x3] =	sbarrier.arrive $0xFFFF;
	s2 =	simm.s32 @!p0 $0x1C09  }
0x113: {  	[timem:s3], [sflag:s2] =	dma.local @!p0 [hbm:s0], s1  }
0x114: {  	s0 =	simm.s32 @!p0 $0x9  }
0x115: {  	_ =	swait.ge @!p0 [sflag:s0], s1  }
0x116: {  	s1 =	ssub.s32 @!p0 $0x0, s1;
	[sflag:s0] =	ssyncset.done @!p0 $0x0  }
0x117: {  	[sflag:s0] =	ssyncadd.s32 @!p0 s1  }
0x118: {  	[bflag:$0x3] =	sbarrier.arrive $0xFFFF  }
0x119: {  	_ =	shalt  }

</sc_bundles>
